<compile_context>
chip_gen: v7x
topology: tpu7x:2x2x1
jax: 0.10.2.dev20260603
libtpu: 0.0.44.dev20260713+nightly
codegen_flags: <defaults>
</compile_context>

<pallas_src>
import functools

import jax
import jax.numpy as jnp
from jax import lax
from jax.experimental import pallas as pl
from jax.experimental.pallas import tpu as pltpu
from jax.experimental.pallas import tpu_sc as plsc

IN_DIM = 256
OUT_DIM = 256
N_NODES = 10000
N_EDGES = 160000

NC = 2
NS = 16
LANES = 16
NW = NC * NS

EPW = N_EDGES // NW
FULL_VREGS = EPW // LANES
TAIL = EPW - FULL_VREGS * LANES
EPW_PAD = (FULL_VREGS + 1) * LANES
ZERO_UNROLL = 25
SCAT_UNROLL = 13

BN = 2000
NBLK = N_NODES // BN
CHUNK = 2048
PBLOCK = NW * CHUNK

@functools.cache
def _sc_segment_sum_fn():
    mesh = plsc.VectorSubcoreMesh(core_axis_name="c", subcore_axis_name="s")

    @functools.partial(
        pl.kernel,
        out_type=jax.ShapeDtypeStruct((NBLK * PBLOCK,), jnp.float32),
        mesh=mesh,
        scratch_types=[
            pltpu.VMEM((EPW_PAD,), jnp.int32),
            pltpu.VMEM((EPW_PAD,), jnp.float32),
            pltpu.VMEM((N_NODES,), jnp.float32),
            pltpu.SemaphoreType.DMA,
            pltpu.SemaphoreType.DMA,
        ],
        compiler_params=pltpu.CompilerParams(needs_layout_passes=False),
    )
    def _sc_segment_sum(idx_hbm, w_hbm, out_hbm, idx_v, w_v, acc_v, sem_i, sem_w):
        wid = lax.axis_index("s") * NC + lax.axis_index("c")
        base = wid * EPW
        cp_i = pltpu.async_copy(
            idx_hbm.at[pl.ds(base, EPW)], idx_v.at[pl.ds(0, EPW)], sem_i
        )
        cp_w = pltpu.async_copy(
            w_hbm.at[pl.ds(base, EPW)], w_v.at[pl.ds(0, EPW)], sem_w
        )

        zeros16 = jnp.zeros((LANES,), jnp.float32)

        def zero_body(i, _):
            for j in range(ZERO_UNROLL):
                acc_v[pl.ds((i * ZERO_UNROLL + j) * LANES, LANES)] = zeros16
            return 0

        lax.fori_loop(0, N_NODES // LANES // ZERO_UNROLL, zero_body, 0)
        cp_i.wait()
        cp_w.wait()

        def scat_body(i, _):
            for j in range(SCAT_UNROLL):
                off = (i * SCAT_UNROLL + j) * LANES
                iv = idx_v[pl.ds(off, LANES)]
                wv = w_v[pl.ds(off, LANES)]
                plsc.addupdate_scatter(acc_v, [iv], wv)
            return 0

        lax.fori_loop(0, FULL_VREGS // SCAT_UNROLL, scat_body, 0)

        tail_off = FULL_VREGS * LANES
        iv = idx_v[pl.ds(tail_off, LANES)]
        wv = w_v[pl.ds(tail_off, LANES)]
        tmask = lax.iota(jnp.int32, LANES) < TAIL
        plsc.addupdate_scatter(acc_v, [iv], wv, mask=tmask)

        for k in range(NBLK):
            pltpu.sync_copy(
                acc_v.at[pl.ds(k * BN, BN)],
                out_hbm.at[pl.ds(k * PBLOCK + wid * CHUNK, BN)],
            )

    return _sc_segment_sum


def _tc_hidden_body(f_ref, w_ref, b_ref, h_ref):
    h = jax.nn.relu(
        lax.dot_general(
            f_ref[...].astype(jnp.bfloat16),
            w_ref[...].astype(jnp.bfloat16),
            (((1,), (1,)), ((), ())),
            preferred_element_type=jnp.float32,
        )
        + b_ref[...]
    )
    h_ref[...] = h.astype(jnp.float8_e4m3fn)


_tc_hidden = pl.pallas_call(
    _tc_hidden_body,
    grid=(NBLK,),
    in_specs=[
        pl.BlockSpec((BN, IN_DIM), lambda i: (i, 0)),
        pl.BlockSpec((OUT_DIM, IN_DIM), lambda i: (0, 0)),
        pl.BlockSpec((1, OUT_DIM), lambda i: (0, 0)),
    ],
    out_specs=pl.BlockSpec((BN, OUT_DIM), lambda i: (i, 0)),
    out_shape=jax.ShapeDtypeStruct((N_NODES, OUT_DIM), jnp.float8_e4m3fn),
)


def _tc_combine_body(p_ref, h_ref, o_ref):
    acc = jnp.zeros((1, OUT_DIM), jnp.float32)
    tot = jnp.float32(0.0)
    for k in range(NBLK):
        s = p_ref[pl.ds(k * PBLOCK, BN)]
        for r in range(1, NW):
            s = s + p_ref[pl.ds(k * PBLOCK + r * CHUNK, BN)]
        acc += lax.dot_general(
            s[None, :].astype(jnp.bfloat16),
            h_ref[pl.ds(k * BN, BN), :].astype(jnp.bfloat16),
            (((1,), (0,)), ((), ())),
            preferred_element_type=jnp.float32,
        )
        tot += jnp.sum(s)
    o_ref[...] = acc / tot


_tc_combine = pl.pallas_call(
    _tc_combine_body,
    in_specs=[
        pl.BlockSpec(memory_space=pltpu.VMEM),
        pl.BlockSpec(memory_space=pltpu.VMEM),
    ],
    out_specs=pl.BlockSpec(memory_space=pltpu.VMEM),
    out_shape=jax.ShapeDtypeStruct((1, OUT_DIM), jnp.float32),
)


def kernel(neighbor_indices, neighbor_weights, features, W, b):
    partials = _sc_segment_sum_fn()(neighbor_indices, neighbor_weights)
    hidden = _tc_hidden(features, W, b.reshape(1, OUT_DIM))
    out = _tc_combine(partials, hidden)
    return out.reshape(OUT_DIM)

# --- scband reference (transcript-rebuilt; emitter-appended) ---
"""Pipeline reference for scband-aggregator-35124242547110 (READ-ONLY COPY).

The authoritative reference and input builder live on the scoring server;
editing this copy changes nothing except your own understanding.
"""

import jax, jax.numpy as jnp
import numpy as np

IN_DIM = 256
OUT_DIM = 256
N_NODES = 10000
N_EDGES = 160000

def setup_inputs(seed: int = 0) -> dict:
    key = jax.random.key(seed)
    k1, k2, k3, k4, k5 = jax.random.split(key, 5)
    neighbor_indices = jax.random.randint(k1, (N_EDGES,), 0, N_NODES, dtype=jnp.int64 if jax.config.jax_enable_x64 else jnp.int32).astype(jnp.int32)
    neighbor_weights = jax.random.uniform(k2, (N_EDGES,), dtype=jnp.float32)
    features = jax.random.normal(k3, (N_NODES, IN_DIM), dtype=jnp.float32)
    # Linear layer params (PyTorch nn.Linear: y = x @ W.T + b), kaiming-uniform-ish init
    bound = 1.0 / np.sqrt(IN_DIM)
    W = jax.random.uniform(k4, (OUT_DIM, IN_DIM), minval=-bound, maxval=bound, dtype=jnp.float32)
    b = jax.random.uniform(k5, (OUT_DIM,), minval=-bound, maxval=bound, dtype=jnp.float32)
    return {"neighbor_indices": neighbor_indices, "neighbor_weights": neighbor_weights, "features": features, "W": W, "b": b}

def reference(neighbor_indices, neighbor_weights, features, W, b):
    # Normalize neighbor weights
    w = neighbor_weights / jnp.sum(neighbor_weights)
    # Gather neighbor features (the per-neighbor loop in the original)
    feats = jnp.take(features, neighbor_indices, axis=0)  # (E, in_dim)
    # Linear + ReLU per neighbor
    hiddens = jax.nn.relu(feats @ W.T + b)  # (E, out_dim)
    # Weighted aggregation (sum over neighbors)
    agg = jnp.sum(hiddens * w[:, None], axis=0)  # (out_dim,)
    return agg

if __name__ == "__main__":
    import jax
    _d = setup_inputs()
    print(jax.jit(kernel)(*tuple(_d.values())))

</pallas_src>

<mosaic_0001>
#map = affine_map<(d0, d1) -> (0)>
module attributes {stable_mosaic.version = 14 : i64} {
  func.func @_sc_segment_sum(%arg0: i32, %arg1: i32, %arg2: memref<160000xi32, #tpu.memory_space<hbm>>, %arg3: memref<160000xf32, #tpu.memory_space<hbm>>, %arg4: memref<327680xf32, #tpu.memory_space<hbm>>, %arg5: memref<5008xi32, #tpu.memory_space<vmem>>, %arg6: memref<5008xf32, #tpu.memory_space<vmem>>, %arg7: memref<10000xf32, #tpu.memory_space<vmem>>, %arg8: memref<!tpu.dma_semaphore, #tpu.memory_space<semaphore_mem>>, %arg9: memref<!tpu.dma_semaphore, #tpu.memory_space<semaphore_mem>>) attributes {dimension_semantics = [#tpu.dimension_semantics<core_parallel>, #tpu.dimension_semantics<subcore_parallel>], iteration_bounds = array<i64: 2, 16>, scalar_prefetch = 0 : i64, scratch_operands = 5 : i64, tpu.core_type = #tpu.core_type<sc_vector_subcore>, window_params = [{transform_indices = #map}, {transform_indices = #map}, {transform_indices = #map}]} {
    %mul3A = arith.constant 2 : i32
    %mul3A_0 = arith.muli %arg1, %mul3A : i32
    %add3A = arith.addi %mul3A_0, %arg0 : i32
    %mul3A_1 = arith.constant 5000 : i32
    %mul3A_2 = arith.muli %add3A, %mul3A_1 : i32
    %dma_start3A = arith.constant 0 : i32
    %dma_start3A_3 = tpu.memref_slice %arg5[%dma_start3A] : memref<5008xi32, #tpu.memory_space<vmem>> -> memref<5000xi32, #tpu.memory_space<vmem>>
    %dma_start3A_4 = tpu.memref_slice %arg2[%mul3A_2] : memref<160000xi32, #tpu.memory_space<hbm>> -> memref<5000xi32, #tpu.memory_space<hbm>>
    %dma_start3A_5 = arith.constant 0 : i32
    %dma_start3A_6 = tpu.memref_slice %arg5[%dma_start3A_5] : memref<5008xi32, #tpu.memory_space<vmem>> -> memref<5000xi32, #tpu.memory_space<vmem>>
    %dma_start3A_7 = tpu.memref_slice %arg2[%mul3A_2] : memref<160000xi32, #tpu.memory_space<hbm>> -> memref<5000xi32, #tpu.memory_space<hbm>>
    tpu.enqueue_dma source(%dma_start3A_7 : memref<5000xi32, #tpu.memory_space<hbm>>) target(%dma_start3A_6 : memref<5000xi32, #tpu.memory_space<vmem>>) target_semaphore(%arg8 : memref<!tpu.dma_semaphore, #tpu.memory_space<semaphore_mem>>)
    %dma_start3A_8 = arith.constant 0 : i32
    %dma_start3A_9 = tpu.memref_slice %arg6[%dma_start3A_8] : memref<5008xf32, #tpu.memory_space<vmem>> -> memref<5000xf32, #tpu.memory_space<vmem>>
    %dma_start3A_10 = tpu.memref_slice %arg3[%mul3A_2] : memref<160000xf32, #tpu.memory_space<hbm>> -> memref<5000xf32, #tpu.memory_space<hbm>>
    %dma_start3A_11 = arith.constant 0 : i32
    %dma_start3A_12 = tpu.memref_slice %arg6[%dma_start3A_11] : memref<5008xf32, #tpu.memory_space<vmem>> -> memref<5000xf32, #tpu.memory_space<vmem>>
    %dma_start3A_13 = tpu.memref_slice %arg3[%mul3A_2] : memref<160000xf32, #tpu.memory_space<hbm>> -> memref<5000xf32, #tpu.memory_space<hbm>>
    tpu.enqueue_dma source(%dma_start3A_13 : memref<5000xf32, #tpu.memory_space<hbm>>) target(%dma_start3A_12 : memref<5000xf32, #tpu.memory_space<vmem>>) target_semaphore(%arg9 : memref<!tpu.dma_semaphore, #tpu.memory_space<semaphore_mem>>)
    %broadcast_in_dim3A = arith.constant 0.000000e+00 : f32
    %broadcast_in_dim3A_14 = vector.broadcast %broadcast_in_dim3A : f32 to vector<16xf32>
    %scan3A = arith.constant 0 : i32
    %scan3A_15 = arith.constant 0 : i32
    %scan3A_16 = arith.constant 25 : i32
    %scan3A_17 = arith.addi %scan3A_15, %scan3A_16 : i32
    %scan3A_18 = arith.constant 1 : i32
    %scan3A_19 = scf.for %scan3A_64 = %scan3A_15 to %scan3A_17 step %scan3A_18 iter_args(%scan3A_65 = %scan3A) -> (i32)  : i32 {
      %mul3A_66 = arith.constant 25 : i32
      %mul3A_67 = arith.muli %scan3A_64, %mul3A_66 : i32
      %add3A_68 = arith.constant 0 : i32
      %add3A_69 = arith.addi %mul3A_67, %add3A_68 : i32
      %mul3A_70 = arith.constant 16 : i32
      %mul3A_71 = arith.muli %add3A_69, %mul3A_70 : i32
      %swap3A = arith.index_cast %mul3A_71 : i32 to index
      %swap3A_72 = tpu.vector_load %arg7[%swap3A] {strides = array<i32>} : memref<10000xf32, #tpu.memory_space<vmem>>, vector<16xf32>,
      tpu.vector_store %arg7[%swap3A], %broadcast_in_dim3A_14 {strides = array<i32>} : memref<10000xf32, #tpu.memory_space<vmem>>, vector<16xf32>,
      %mul3A_73 = arith.constant 25 : i32
      %mul3A_74 = arith.muli %scan3A_64, %mul3A_73 : i32
      %add3A_75 = arith.constant 1 : i32
      %add3A_76 = arith.addi %mul3A_74, %add3A_75 : i32
      %mul3A_77 = arith.constant 16 : i32
      %mul3A_78 = arith.muli %add3A_76, %mul3A_77 : i32
      %swap3A_79 = arith.index_cast %mul3A_78 : i32 to index
      %swap3A_80 = tpu.vector_load %arg7[%swap3A_79] {strides = array<i32>} : memref<10000xf32, #tpu.memory_space<vmem>>, vector<16xf32>,
      tpu.vector_store %arg7[%swap3A_79], %broadcast_in_dim3A_14 {strides = array<i32>} : memref<10000xf32, #tpu.memory_space<vmem>>, vector<16xf32>,
      %mul3A_81 = arith.constant 25 : i32
      %mul3A_82 = arith.muli %scan3A_64, %mul3A_81 : i32
      %add3A_83 = arith.constant 2 : i32
      %add3A_84 = arith.addi %mul3A_82, %add3A_83 : i32
      %mul3A_85 = arith.constant 16 : i32
      %mul3A_86 = arith.muli %add3A_84, %mul3A_85 : i32
      %swap3A_87 = arith.index_cast %mul3A_86 : i32 to index
      %swap3A_88 = tpu.vector_load %arg7[%swap3A_87] {strides = array<i32>} : memref<10000xf32, #tpu.memory_space<vmem>>, vector<16xf32>,
      tpu.vector_store %arg7[%swap3A_87], %broadcast_in_dim3A_14 {strides = array<i32>} : memref<10000xf32, #tpu.memory_space<vmem>>, vector<16xf32>,
      %mul3A_89 = arith.constant 25 : i32
      %mul3A_90 = arith.muli %scan3A_64, %mul3A_89 : i32
      %add3A_91 = arith.constant 3 : i32
      %add3A_92 = arith.addi %mul3A_90, %add3A_91 : i32
      %mul3A_93 = arith.constant 16 : i32
      %mul3A_94 = arith.muli %add3A_92, %mul3A_93 : i32
      %swap3A_95 = arith.index_cast %mul3A_94 : i32 to index
      %swap3A_96 = tpu.vector_load %arg7[%swap3A_95] {strides = array<i32>} : memref<10000xf32, #tpu.memory_space<vmem>>, vector<16xf32>,
      tpu.vector_store %arg7[%swap3A_95], %broadcast_in_dim3A_14 {strides = array<i32>} : memref<10000xf32, #tpu.memory_space<vmem>>, vector<16xf32>,
      %mul3A_97 = arith.constant 25 : i32
      %mul3A_98 = arith.muli %scan3A_64, %mul3A_97 : i32
      %add3A_99 = arith.constant 4 : i32
      %add3A_100 = arith.addi %mul3A_98, %add3A_99 : i32
      %mul3A_101 = arith.constant 16 : i32
      %mul3A_102 = arith.muli %add3A_100, %mul3A_101 : i32
      %swap3A_103 = arith.index_cast %mul3A_102 : i32 to index
      %swap3A_104 = tpu.vector_load %arg7[%swap3A_103] {strides = array<i32>} : memref<10000xf32, #tpu.memory_space<vmem>>, vector<16xf32>,
      tpu.vector_store %arg7[%swap3A_103], %broadcast_in_dim3A_14 {strides = array<i32>} : memref<10000xf32, #tpu.memory_space<vmem>>, vector<16xf32>,
      %mul3A_105 = arith.constant 25 : i32
      %mul3A_106 = arith.muli %scan3A_64, %mul3A_105 : i32
      %add3A_107 = arith.constant 5 : i32
      %add3A_108 = arith.addi %mul3A_106, %add3A_107 : i32
      %mul3A_109 = arith.constant 16 : i32
      %mul3A_110 = arith.muli %add3A_108, %mul3A_109 : i32
      %swap3A_111 = arith.index_cast %mul3A_110 : i32 to index
      %swap3A_112 = tpu.vector_load %arg7[%swap3A_111] {strides = array<i32>} : memref<10000xf32, #tpu.memory_space<vmem>>, vector<16xf32>,
      tpu.vector_store %arg7[%swap3A_111], %broadcast_in_dim3A_14 {strides = array<i32>} : memref<10000xf32, #tpu.memory_space<vmem>>, vector<16xf32>,
      %mul3A_113 = arith.constant 25 : i32
      %mul3A_114 = arith.muli %scan3A_64, %mul3A_113 : i32
      %add3A_115 = arith.constant 6 : i32
      %add3A_116 = arith.addi %mul3A_114, %add3A_115 : i32
      %mul3A_117 = arith.constant 16 : i32
      %mul3A_118 = arith.muli %add3A_116, %mul3A_117 : i32
      %swap3A_119 = arith.index_cast %mul3A_118 : i32 to index
      %swap3A_120 = tpu.vector_load %arg7[%swap3A_119] {strides = array<i32>} : memref<10000xf32, #tpu.memory_space<vmem>>, vector<16xf32>,
      tpu.vector_store %arg7[%swap3A_119], %broadcast_in_dim3A_14 {strides = array<i32>} : memref<10000xf32, #tpu.memory_space<vmem>>, vector<16xf32>,
      %mul3A_121 = arith.constant 25 : i32
      %mul3A_122 = arith.muli %scan3A_64, %mul3A_121 : i32
      %add3A_123 = arith.constant 7 : i32
      %add3A_124 = arith.addi %mul3A_122, %add3A_123 : i32
      %mul3A_125 = arith.constant 16 : i32
      %mul3A_126 = arith.muli %add3A_124, %mul3A_125 : i32
      %swap3A_127 = arith.index_cast %mul3A_126 : i32 to index
      %swap3A_128 = tpu.vector_load %arg7[%swap3A_127] {strides = array<i32>} : memref<10000xf32, #tpu.memory_space<vmem>>, vector<16xf32>,
      tpu.vector_store %arg7[%swap3A_127], %broadcast_in_dim3A_14 {strides = array<i32>} : memref<10000xf32, #tpu.memory_space<vmem>>, vector<16xf32>,
      %mul3A_129 = arith.constant 25 : i32
      %mul3A_130 = arith.muli %scan3A_64, %mul3A_129 : i32
      %add3A_131 = arith.constant 8 : i32
      %add3A_132 = arith.addi %mul3A_130, %add3A_131 : i32
      %mul3A_133 = arith.constant 16 : i32
      %mul3A_134 = arith.muli %add3A_132, %mul3A_133 : i32
      %swap3A_135 = arith.index_cast %mul3A_134 : i32 to index
      %swap3A_136 = tpu.vector_load %arg7[%swap3A_135] {strides = array<i32>} : memref<10000xf32, #tpu.memory_space<vmem>>, vector<16xf32>,
      tpu.vector_store %arg7[%swap3A_135], %broadcast_in_dim3A_14 {strides = array<i32>} : memref<10000xf32, #tpu.memory_space<vmem>>, vector<16xf32>,
      %mul3A_137 = arith.constant 25 : i32
      %mul3A_138 = arith.muli %scan3A_64, %mul3A_137 : i32
      %add3A_139 = arith.constant 9 : i32
      %add3A_140 = arith.addi %mul3A_138, %add3A_139 : i32
      %mul3A_141 = arith.constant 16 : i32
      %mul3A_142 = arith.muli %add3A_140, %mul3A_141 : i32
      %swap3A_143 = arith.index_cast %mul3A_142 : i32 to index
      %swap3A_144 = tpu.vector_load %arg7[%swap3A_143] {strides = array<i32>} : memref<10000xf32, #tpu.memory_space<vmem>>, vector<16xf32>,
      tpu.vector_store %arg7[%swap3A_143], %broadcast_in_dim3A_14 {strides = array<i32>} : memref<10000xf32, #tpu.memory_space<vmem>>, vector<16xf32>,
      %mul3A_145 = arith.constant 25 : i32
      %mul3A_146 = arith.muli %scan3A_64, %mul3A_145 : i32
      %add3A_147 = arith.constant 10 : i32
      %add3A_148 = arith.addi %mul3A_146, %add3A_147 : i32
      %mul3A_149 = arith.constant 16 : i32
      %mul3A_150 = arith.muli %add3A_148, %mul3A_149 : i32
      %swap3A_151 = arith.index_cast %mul3A_150 : i32 to index
      %swap3A_152 = tpu.vector_load %arg7[%swap3A_151] {strides = array<i32>} : memref<10000xf32, #tpu.memory_space<vmem>>, vector<16xf32>,
      tpu.vector_store %arg7[%swap3A_151], %broadcast_in_dim3A_14 {strides = array<i32>} : memref<10000xf32, #tpu.memory_space<vmem>>, vector<16xf32>,
      %mul3A_153 = arith.constant 25 : i32
      %mul3A_154 = arith.muli %scan3A_64, %mul3A_153 : i32
      %add3A_155 = arith.constant 11 : i32
      %add3A_156 = arith.addi %mul3A_154, %add3A_155 : i32
      %mul3A_157 = arith.constant 16 : i32
      %mul3A_158 = arith.muli %add3A_156, %mul3A_157 : i32
      %swap3A_159 = arith.index_cast %mul3A_158 : i32 to index
      %swap3A_160 = tpu.vector_load %arg7[%swap3A_159] {strides = array<i32>} : memref<10000xf32, #tpu.memory_space<vmem>>, vector<16xf32>,
      tpu.vector_store %arg7[%swap3A_159], %broadcast_in_dim3A_14 {strides = array<i32>} : memref<10000xf32, #tpu.memory_space<vmem>>, vector<16xf32>,
      %mul3A_161 = arith.constant 25 : i32
      %mul3A_162 = arith.muli %scan3A_64, %mul3A_161 : i32
      %add3A_163 = arith.constant 12 : i32
      %add3A_164 = arith.addi %mul3A_162, %add3A_163 : i32
      %mul3A_165 = arith.constant 16 : i32
      %mul3A_166 = arith.muli %add3A_164, %mul3A_165 : i32
      %swap3A_167 = arith.index_cast %mul3A_166 : i32 to index
      %swap3A_168 = tpu.vector_load %arg7[%swap3A_167] {strides = array<i32>} : memref<10000xf32, #tpu.memory_space<vmem>>, vector<16xf32>,
      tpu.vector_store %arg7[%swap3A_167], %broadcast_in_dim3A_14 {strides = array<i32>} : memref<10000xf32, #tpu.memory_space<vmem>>, vector<16xf32>,
      %mul3A_169 = arith.constant 25 : i32
      %mul3A_170 = arith.muli %scan3A_64, %mul3A_169 : i32
      %add3A_171 = arith.constant 13 : i32
      %add3A_172 = arith.addi %mul3A_170, %add3A_171 : i32
      %mul3A_173 = arith.constant 16 : i32
      %mul3A_174 = arith.muli %add3A_172, %mul3A_173 : i32
      %swap3A_175 = arith.index_cast %mul3A_174 : i32 to index
      %swap3A_176 = tpu.vector_load %arg7[%swap3A_175] {strides = array<i32>} : memref<10000xf32, #tpu.memory_space<vmem>>, vector<16xf32>,
      tpu.vector_store %arg7[%swap3A_175], %broadcast_in_dim3A_14 {strides = array<i32>} : memref<10000xf32, #tpu.memory_space<vmem>>, vector<16xf32>,
      %mul3A_177 = arith.constant 25 : i32
      %mul3A_178 = arith.muli %scan3A_64, %mul3A_177 : i32
      %add3A_179 = arith.constant 14 : i32
      %add3A_180 = arith.addi %mul3A_178, %add3A_179 : i32
      %mul3A_181 = arith.constant 16 : i32
      %mul3A_182 = arith.muli %add3A_180, %mul3A_181 : i32
      %swap3A_183 = arith.index_cast %mul3A_182 : i32 to index
      %swap3A_184 = tpu.vector_load %arg7[%swap3A_183] {strides = array<i32>} : memref<10000xf32, #tpu.memory_space<vmem>>, vector<16xf32>,
      tpu.vector_store %arg7[%swap3A_183], %broadcast_in_dim3A_14 {strides = array<i32>} : memref<10000xf32, #tpu.memory_space<vmem>>, vector<16xf32>,
      %mul3A_185 = arith.constant 25 : i32
      %mul3A_186 = arith.muli %scan3A_64, %mul3A_185 : i32
      %add3A_187 = arith.constant 15 : i32
      %add3A_188 = arith.addi %mul3A_186, %add3A_187 : i32
      %mul3A_189 = arith.constant 16 : i32
      %mul3A_190 = arith.muli %add3A_188, %mul3A_189 : i32
      %swap3A_191 = arith.index_cast %mul3A_190 : i32 to index
      %swap3A_192 = tpu.vector_load %arg7[%swap3A_191] {strides = array<i32>} : memref<10000xf32, #tpu.memory_space<vmem>>, vector<16xf32>,
      tpu.vector_store %arg7[%swap3A_191], %broadcast_in_dim3A_14 {strides = array<i32>} : memref<10000xf32, #tpu.memory_space<vmem>>, vector<16xf32>,
      %mul3A_193 = arith.constant 25 : i32
      %mul3A_194 = arith.muli %scan3A_64, %mul3A_193 : i32
      %add3A_195 = arith.constant 16 : i32
      %add3A_196 = arith.addi %mul3A_194, %add3A_195 : i32
      %mul3A_197 = arith.constant 16 : i32
      %mul3A_198 = arith.muli %add3A_196, %mul3A_197 : i32
      %swap3A_199 = arith.index_cast %mul3A_198 : i32 to index
      %swap3A_200 = tpu.vector_load %arg7[%swap3A_199] {strides = array<i32>} : memref<10000xf32, #tpu.memory_space<vmem>>, vector<16xf32>,
      tpu.vector_store %arg7[%swap3A_199], %broadcast_in_dim3A_14 {strides = array<i32>} : memref<10000xf32, #tpu.memory_space<vmem>>, vector<16xf32>,
      %mul3A_201 = arith.constant 25 : i32
      %mul3A_202 = arith.muli %scan3A_64, %mul3A_201 : i32
      %add3A_203 = arith.constant 17 : i32
      %add3A_204 = arith.addi %mul3A_202, %add3A_203 : i32
      %mul3A_205 = arith.constant 16 : i32
      %mul3A_206 = arith.muli %add3A_204, %mul3A_205 : i32
      %swap3A_207 = arith.index_cast %mul3A_206 : i32 to index
      %swap3A_208 = tpu.vector_load %arg7[%swap3A_207] {strides = array<i32>} : memref<10000xf32, #tpu.memory_space<vmem>>, vector<16xf32>,
      tpu.vector_store %arg7[%swap3A_207], %broadcast_in_dim3A_14 {strides = array<i32>} : memref<10000xf32, #tpu.memory_space<vmem>>, vector<16xf32>,
      %mul3A_209 = arith.constant 25 : i32
      %mul3A_210 = arith.muli %scan3A_64, %mul3A_209 : i32
      %add3A_211 = arith.constant 18 : i32
      %add3A_212 = arith.addi %mul3A_210, %add3A_211 : i32
      %mul3A_213 = arith.constant 16 : i32
      %mul3A_214 = arith.muli %add3A_212, %mul3A_213 : i32
      %swap3A_215 = arith.index_cast %mul3A_214 : i32 to index
      %swap3A_216 = tpu.vector_load %arg7[%swap3A_215] {strides = array<i32>} : memref<10000xf32, #tpu.memory_space<vmem>>, vector<16xf32>,
      tpu.vector_store %arg7[%swap3A_215], %broadcast_in_dim3A_14 {strides = array<i32>} : memref<10000xf32, #tpu.memory_space<vmem>>, vector<16xf32>,
      %mul3A_217 = arith.constant 25 : i32
      %mul3A_218 = arith.muli %scan3A_64, %mul3A_217 : i32
      %add3A_219 = arith.constant 19 : i32
      %add3A_220 = arith.addi %mul3A_218, %add3A_219 : i32
      %mul3A_221 = arith.constant 16 : i32
      %mul3A_222 = arith.muli %add3A_220, %mul3A_221 : i32
      %swap3A_223 = arith.index_cast %mul3A_222 : i32 to index
      %swap3A_224 = tpu.vector_load %arg7[%swap3A_223] {strides = array<i32>} : memref<10000xf32, #tpu.memory_space<vmem>>, vector<16xf32>,
      tpu.vector_store %arg7[%swap3A_223], %broadcast_in_dim3A_14 {strides = array<i32>} : memref<10000xf32, #tpu.memory_space<vmem>>, vector<16xf32>,
      %mul3A_225 = arith.constant 25 : i32
      %mul3A_226 = arith.muli %scan3A_64, %mul3A_225 : i32
      %add3A_227 = arith.constant 20 : i32
      %add3A_228 = arith.addi %mul3A_226, %add3A_227 : i32
      %mul3A_229 = arith.constant 16 : i32
      %mul3A_230 = arith.muli %add3A_228, %mul3A_229 : i32
      %swap3A_231 = arith.index_cast %mul3A_230 : i32 to index
      %swap3A_232 = tpu.vector_load %arg7[%swap3A_231] {strides = array<i32>} : memref<10000xf32, #tpu.memory_space<vmem>>, vector<16xf32>,
      tpu.vector_store %arg7[%swap3A_231], %broadcast_in_dim3A_14 {strides = array<i32>} : memref<10000xf32, #tpu.memory_space<vmem>>, vector<16xf32>,
      %mul3A_233 = arith.constant 25 : i32
      %mul3A_234 = arith.muli %scan3A_64, %mul3A_233 : i32
      %add3A_235 = arith.constant 21 : i32
      %add3A_236 = arith.addi %mul3A_234, %add3A_235 : i32
      %mul3A_237 = arith.constant 16 : i32
      %mul3A_238 = arith.muli %add3A_236, %mul3A_237 : i32
      %swap3A_239 = arith.index_cast %mul3A_238 : i32 to index
      %swap3A_240 = tpu.vector_load %arg7[%swap3A_239] {strides = array<i32>} : memref<10000xf32, #tpu.memory_space<vmem>>, vector<16xf32>,
      tpu.vector_store %arg7[%swap3A_239], %broadcast_in_dim3A_14 {strides = array<i32>} : memref<10000xf32, #tpu.memory_space<vmem>>, vector<16xf32>,
      %mul3A_241 = arith.constant 25 : i32
      %mul3A_242 = arith.muli %scan3A_64, %mul3A_241 : i32
      %add3A_243 = arith.constant 22 : i32
      %add3A_244 = arith.addi %mul3A_242, %add3A_243 : i32
      %mul3A_245 = arith.constant 16 : i32
      %mul3A_246 = arith.muli %add3A_244, %mul3A_245 : i32
      %swap3A_247 = arith.index_cast %mul3A_246 : i32 to index
      %swap3A_248 = tpu.vector_load %arg7[%swap3A_247] {strides = array<i32>} : memref<10000xf32, #tpu.memory_space<vmem>>, vector<16xf32>,
      tpu.vector_store %arg7[%swap3A_247], %broadcast_in_dim3A_14 {strides = array<i32>} : memref<10000xf32, #tpu.memory_space<vmem>>, vector<16xf32>,
      %mul3A_249 = arith.constant 25 : i32
      %mul3A_250 = arith.muli %scan3A_64, %mul3A_249 : i32
      %add3A_251 = arith.constant 23 : i32
      %add3A_252 = arith.addi %mul3A_250, %add3A_251 : i32
      %mul3A_253 = arith.constant 16 : i32
      %mul3A_254 = arith.muli %add3A_252, %mul3A_253 : i32
      %swap3A_255 = arith.index_cast %mul3A_254 : i32 to index
      %swap3A_256 = tpu.vector_load %arg7[%swap3A_255] {strides = array<i32>} : memref<10000xf32, #tpu.memory_space<vmem>>, vector<16xf32>,
      tpu.vector_store %arg7[%swap3A_255], %broadcast_in_dim3A_14 {strides = array<i32>} : memref<10000xf32, #tpu.memory_space<vmem>>, vector<16xf32>,
      %mul3A_257 = arith.constant 25 : i32
      %mul3A_258 = arith.muli %scan3A_64, %mul3A_257 : i32
      %add3A_259 = arith.constant 24 : i32
      %add3A_260 = arith.addi %mul3A_258, %add3A_259 : i32
      %mul3A_261 = arith.constant 16 : i32
      %mul3A_262 = arith.muli %add3A_260, %mul3A_261 : i32
      %swap3A_263 = arith.index_cast %mul3A_262 : i32 to index
      %swap3A_264 = tpu.vector_load %arg7[%swap3A_263] {strides = array<i32>} : memref<10000xf32, #tpu.memory_space<vmem>>, vector<16xf32>,
      tpu.vector_store %arg7[%swap3A_263], %broadcast_in_dim3A_14 {strides = array<i32>} : memref<10000xf32, #tpu.memory_space<vmem>>, vector<16xf32>,
      %scan3A_265 = arith.constant 0 : i32
      scf.yield %scan3A_265 : i32
    }
    %scan3A_20 = arith.constant 25 : i32
    %dma_wait3A = arith.constant 0 : i32
    %dma_wait3A_21 = tpu.memref_slice %arg5[%dma_wait3A] : memref<5008xi32, #tpu.memory_space<vmem>> -> memref<5000xi32, #tpu.memory_space<vmem>>
    %dma_wait3A_22 = tpu.memref_slice %arg2[%mul3A_2] : memref<160000xi32, #tpu.memory_space<hbm>> -> memref<5000xi32, #tpu.memory_space<hbm>>
    %dma_wait3A_23 = arith.constant 0 : i32
    %dma_wait3A_24 = tpu.memref_slice %arg5[%dma_wait3A_23] : memref<5008xi32, #tpu.memory_space<vmem>> -> memref<5000xi32, #tpu.memory_space<vmem>>
    %dma_wait3A_25 = tpu.memref_slice %arg2[%mul3A_2] : memref<160000xi32, #tpu.memory_space<hbm>> -> memref<5000xi32, #tpu.memory_space<hbm>>
    tpu.wait_dma2 semaphore(%arg8 : memref<!tpu.dma_semaphore, #tpu.memory_space<semaphore_mem>>) src(%dma_wait3A_25 : memref<5000xi32, #tpu.memory_space<hbm>>) dst(%dma_wait3A_24 : memref<5000xi32, #tpu.memory_space<vmem>>)
    %dma_wait3A_26 = arith.constant 0 : i32
    %dma_wait3A_27 = tpu.memref_slice %arg6[%dma_wait3A_26] : memref<5008xf32, #tpu.memory_space<vmem>> -> memref<5000xf32, #tpu.memory_space<vmem>>
    %dma_wait3A_28 = tpu.memref_slice %arg3[%mul3A_2] : memref<160000xf32, #tpu.memory_space<hbm>> -> memref<5000xf32, #tpu.memory_space<hbm>>
    %dma_wait3A_29 = arith.constant 0 : i32
    %dma_wait3A_30 = tpu.memref_slice %arg6[%dma_wait3A_29] : memref<5008xf32, #tpu.memory_space<vmem>> -> memref<5000xf32, #tpu.memory_space<vmem>>
    %dma_wait3A_31 = tpu.memref_slice %arg3[%mul3A_2] : memref<160000xf32, #tpu.memory_space<hbm>> -> memref<5000xf32, #tpu.memory_space<hbm>>
    tpu.wait_dma2 semaphore(%arg9 : memref<!tpu.dma_semaphore, #tpu.memory_space<semaphore_mem>>) src(%dma_wait3A_31 : memref<5000xf32, #tpu.memory_space<hbm>>) dst(%dma_wait3A_30 : memref<5000xf32, #tpu.memory_space<vmem>>)
    %scan3A_32 = arith.constant 0 : i32
    %scan3A_33 = arith.constant 0 : i32
    %scan3A_34 = arith.constant 24 : i32
    %scan3A_35 = arith.addi %scan3A_33, %scan3A_34 : i32
    %scan3A_36 = arith.constant 1 : i32
    %scan3A_37 = scf.for %scan3A_64 = %scan3A_33 to %scan3A_35 step %scan3A_36 iter_args(%scan3A_65 = %scan3A_32) -> (i32)  : i32 {
      %mul3A_66 = arith.constant 13 : i32
      %mul3A_67 = arith.muli %scan3A_64, %mul3A_66 : i32
      %add3A_68 = arith.constant 0 : i32
      %add3A_69 = arith.addi %mul3A_67, %add3A_68 : i32
      %mul3A_70 = arith.constant 16 : i32
      %mul3A_71 = arith.muli %add3A_69, %mul3A_70 : i32
      %get3A_72 = arith.index_cast %mul3A_71 : i32 to index
      %get3A_73 = tpu.vector_load %arg5[%get3A_72] {strides = array<i32>} : memref<5008xi32, #tpu.memory_space<vmem>>, vector<16xi32>,
      %get3A_74 = arith.index_cast %mul3A_71 : i32 to index
      %get3A_75 = tpu.vector_load %arg6[%get3A_74] {strides = array<i32>} : memref<5008xf32, #tpu.memory_space<vmem>>, vector<16xf32>,
      tpu.vector_store_idx %arg7[%get3A_73], %get3A_75 {add = true} : memref<10000xf32, #tpu.memory_space<vmem>>[vector<16xi32>], vector<16xf32>,
      %mul3A_76 = arith.constant 13 : i32
      %mul3A_77 = arith.muli %scan3A_64, %mul3A_76 : i32
      %add3A_78 = arith.constant 1 : i32
      %add3A_79 = arith.addi %mul3A_77, %add3A_78 : i32
      %mul3A_80 = arith.constant 16 : i32
      %mul3A_81 = arith.muli %add3A_79, %mul3A_80 : i32
      %get3A_82 = arith.index_cast %mul3A_81 : i32 to index
      %get3A_83 = tpu.vector_load %arg5[%get3A_82] {strides = array<i32>} : memref<5008xi32, #tpu.memory_space<vmem>>, vector<16xi32>,
      %get3A_84 = arith.index_cast %mul3A_81 : i32 to index
      %get3A_85 = tpu.vector_load %arg6[%get3A_84] {strides = array<i32>} : memref<5008xf32, #tpu.memory_space<vmem>>, vector<16xf32>,
      tpu.vector_store_idx %arg7[%get3A_83], %get3A_85 {add = true} : memref<10000xf32, #tpu.memory_space<vmem>>[vector<16xi32>], vector<16xf32>,
      %mul3A_86 = arith.constant 13 : i32
      %mul3A_87 = arith.muli %scan3A_64, %mul3A_86 : i32
      %add3A_88 = arith.constant 2 : i32
      %add3A_89 = arith.addi %mul3A_87, %add3A_88 : i32
      %mul3A_90 = arith.constant 16 : i32
      %mul3A_91 = arith.muli %add3A_89, %mul3A_90 : i32
      %get3A_92 = arith.index_cast %mul3A_91 : i32 to index
      %get3A_93 = tpu.vector_load %arg5[%get3A_92] {strides = array<i32>} : memref<5008xi32, #tpu.memory_space<vmem>>, vector<16xi32>,
      %get3A_94 = arith.index_cast %mul3A_91 : i32 to index
      %get3A_95 = tpu.vector_load %arg6[%get3A_94] {strides = array<i32>} : memref<5008xf32, #tpu.memory_space<vmem>>, vector<16xf32>,
      tpu.vector_store_idx %arg7[%get3A_93], %get3A_95 {add = true} : memref<10000xf32, #tpu.memory_space<vmem>>[vector<16xi32>], vector<16xf32>,
      %mul3A_96 = arith.constant 13 : i32
      %mul3A_97 = arith.muli %scan3A_64, %mul3A_96 : i32
      %add3A_98 = arith.constant 3 : i32
      %add3A_99 = arith.addi %mul3A_97, %add3A_98 : i32
      %mul3A_100 = arith.constant 16 : i32
      %mul3A_101 = arith.muli %add3A_99, %mul3A_100 : i32
      %get3A_102 = arith.index_cast %mul3A_101 : i32 to index
      %get3A_103 = tpu.vector_load %arg5[%get3A_102] {strides = array<i32>} : memref<5008xi32, #tpu.memory_space<vmem>>, vector<16xi32>,
      %get3A_104 = arith.index_cast %mul3A_101 : i32 to index
      %get3A_105 = tpu.vector_load %arg6[%get3A_104] {strides = array<i32>} : memref<5008xf32, #tpu.memory_space<vmem>>, vector<16xf32>,
      tpu.vector_store_idx %arg7[%get3A_103], %get3A_105 {add = true} : memref<10000xf32, #tpu.memory_space<vmem>>[vector<16xi32>], vector<16xf32>,
      %mul3A_106 = arith.constant 13 : i32
      %mul3A_107 = arith.muli %scan3A_64, %mul3A_106 : i32
      %add3A_108 = arith.constant 4 : i32
      %add3A_109 = arith.addi %mul3A_107, %add3A_108 : i32
      %mul3A_110 = arith.constant 16 : i32
      %mul3A_111 = arith.muli %add3A_109, %mul3A_110 : i32
      %get3A_112 = arith.index_cast %mul3A_111 : i32 to index
      %get3A_113 = tpu.vector_load %arg5[%get3A_112] {strides = array<i32>} : memref<5008xi32, #tpu.memory_space<vmem>>, vector<16xi32>,
      %get3A_114 = arith.index_cast %mul3A_111 : i32 to index
      %get3A_115 = tpu.vector_load %arg6[%get3A_114] {strides = array<i32>} : memref<5008xf32, #tpu.memory_space<vmem>>, vector<16xf32>,
      tpu.vector_store_idx %arg7[%get3A_113], %get3A_115 {add = true} : memref<10000xf32, #tpu.memory_space<vmem>>[vector<16xi32>], vector<16xf32>,
      %mul3A_116 = arith.constant 13 : i32
      %mul3A_117 = arith.muli %scan3A_64, %mul3A_116 : i32
      %add3A_118 = arith.constant 5 : i32
      %add3A_119 = arith.addi %mul3A_117, %add3A_118 : i32
      %mul3A_120 = arith.constant 16 : i32
      %mul3A_121 = arith.muli %add3A_119, %mul3A_120 : i32
      %get3A_122 = arith.index_cast %mul3A_121 : i32 to index
      %get3A_123 = tpu.vector_load %arg5[%get3A_122] {strides = array<i32>} : memref<5008xi32, #tpu.memory_space<vmem>>, vector<16xi32>,
      %get3A_124 = arith.index_cast %mul3A_121 : i32 to index
      %get3A_125 = tpu.vector_load %arg6[%get3A_124] {strides = array<i32>} : memref<5008xf32, #tpu.memory_space<vmem>>, vector<16xf32>,
      tpu.vector_store_idx %arg7[%get3A_123], %get3A_125 {add = true} : memref<10000xf32, #tpu.memory_space<vmem>>[vector<16xi32>], vector<16xf32>,
      %mul3A_126 = arith.constant 13 : i32
      %mul3A_127 = arith.muli %scan3A_64, %mul3A_126 : i32
      %add3A_128 = arith.constant 6 : i32
      %add3A_129 = arith.addi %mul3A_127, %add3A_128 : i32
      %mul3A_130 = arith.constant 16 : i32
      %mul3A_131 = arith.muli %add3A_129, %mul3A_130 : i32
      %get3A_132 = arith.index_cast %mul3A_131 : i32 to index
      %get3A_133 = tpu.vector_load %arg5[%get3A_132] {strides = array<i32>} : memref<5008xi32, #tpu.memory_space<vmem>>, vector<16xi32>,
      %get3A_134 = arith.index_cast %mul3A_131 : i32 to index
      %get3A_135 = tpu.vector_load %arg6[%get3A_134] {strides = array<i32>} : memref<5008xf32, #tpu.memory_space<vmem>>, vector<16xf32>,
      tpu.vector_store_idx %arg7[%get3A_133], %get3A_135 {add = true} : memref<10000xf32, #tpu.memory_space<vmem>>[vector<16xi32>], vector<16xf32>,
      %mul3A_136 = arith.constant 13 : i32
      %mul3A_137 = arith.muli %scan3A_64, %mul3A_136 : i32
      %add3A_138 = arith.constant 7 : i32
      %add3A_139 = arith.addi %mul3A_137, %add3A_138 : i32
      %mul3A_140 = arith.constant 16 : i32
      %mul3A_141 = arith.muli %add3A_139, %mul3A_140 : i32
      %get3A_142 = arith.index_cast %mul3A_141 : i32 to index
      %get3A_143 = tpu.vector_load %arg5[%get3A_142] {strides = array<i32>} : memref<5008xi32, #tpu.memory_space<vmem>>, vector<16xi32>,
      %get3A_144 = arith.index_cast %mul3A_141 : i32 to index
      %get3A_145 = tpu.vector_load %arg6[%get3A_144] {strides = array<i32>} : memref<5008xf32, #tpu.memory_space<vmem>>, vector<16xf32>,
      tpu.vector_store_idx %arg7[%get3A_143], %get3A_145 {add = true} : memref<10000xf32, #tpu.memory_space<vmem>>[vector<16xi32>], vector<16xf32>,
      %mul3A_146 = arith.constant 13 : i32
      %mul3A_147 = arith.muli %scan3A_64, %mul3A_146 : i32
      %add3A_148 = arith.constant 8 : i32
      %add3A_149 = arith.addi %mul3A_147, %add3A_148 : i32
      %mul3A_150 = arith.constant 16 : i32
      %mul3A_151 = arith.muli %add3A_149, %mul3A_150 : i32
      %get3A_152 = arith.index_cast %mul3A_151 : i32 to index
      %get3A_153 = tpu.vector_load %arg5[%get3A_152] {strides = array<i32>} : memref<5008xi32, #tpu.memory_space<vmem>>, vector<16xi32>,
      %get3A_154 = arith.index_cast %mul3A_151 : i32 to index
      %get3A_155 = tpu.vector_load %arg6[%get3A_154] {strides = array<i32>} : memref<5008xf32, #tpu.memory_space<vmem>>, vector<16xf32>,
      tpu.vector_store_idx %arg7[%get3A_153], %get3A_155 {add = true} : memref<10000xf32, #tpu.memory_space<vmem>>[vector<16xi32>], vector<16xf32>,
      %mul3A_156 = arith.constant 13 : i32
      %mul3A_157 = arith.muli %scan3A_64, %mul3A_156 : i32
      %add3A_158 = arith.constant 9 : i32
      %add3A_159 = arith.addi %mul3A_157, %add3A_158 : i32
      %mul3A_160 = arith.constant 16 : i32
      %mul3A_161 = arith.muli %add3A_159, %mul3A_160 : i32
      %get3A_162 = arith.index_cast %mul3A_161 : i32 to index
      %get3A_163 = tpu.vector_load %arg5[%get3A_162] {strides = array<i32>} : memref<5008xi32, #tpu.memory_space<vmem>>, vector<16xi32>,
      %get3A_164 = arith.index_cast %mul3A_161 : i32 to index
      %get3A_165 = tpu.vector_load %arg6[%get3A_164] {strides = array<i32>} : memref<5008xf32, #tpu.memory_space<vmem>>, vector<16xf32>,
      tpu.vector_store_idx %arg7[%get3A_163], %get3A_165 {add = true} : memref<10000xf32, #tpu.memory_space<vmem>>[vector<16xi32>], vector<16xf32>,
      %mul3A_166 = arith.constant 13 : i32
      %mul3A_167 = arith.muli %scan3A_64, %mul3A_166 : i32
      %add3A_168 = arith.constant 10 : i32
      %add3A_169 = arith.addi %mul3A_167, %add3A_168 : i32
      %mul3A_170 = arith.constant 16 : i32
      %mul3A_171 = arith.muli %add3A_169, %mul3A_170 : i32
      %get3A_172 = arith.index_cast %mul3A_171 : i32 to index
      %get3A_173 = tpu.vector_load %arg5[%get3A_172] {strides = array<i32>} : memref<5008xi32, #tpu.memory_space<vmem>>, vector<16xi32>,
      %get3A_174 = arith.index_cast %mul3A_171 : i32 to index
      %get3A_175 = tpu.vector_load %arg6[%get3A_174] {strides = array<i32>} : memref<5008xf32, #tpu.memory_space<vmem>>, vector<16xf32>,
      tpu.vector_store_idx %arg7[%get3A_173], %get3A_175 {add = true} : memref<10000xf32, #tpu.memory_space<vmem>>[vector<16xi32>], vector<16xf32>,
      %mul3A_176 = arith.constant 13 : i32
      %mul3A_177 = arith.muli %scan3A_64, %mul3A_176 : i32
      %add3A_178 = arith.constant 11 : i32
      %add3A_179 = arith.addi %mul3A_177, %add3A_178 : i32
      %mul3A_180 = arith.constant 16 : i32
      %mul3A_181 = arith.muli %add3A_179, %mul3A_180 : i32
      %get3A_182 = arith.index_cast %mul3A_181 : i32 to index
      %get3A_183 = tpu.vector_load %arg5[%get3A_182] {strides = array<i32>} : memref<5008xi32, #tpu.memory_space<vmem>>, vector<16xi32>,
      %get3A_184 = arith.index_cast %mul3A_181 : i32 to index
      %get3A_185 = tpu.vector_load %arg6[%get3A_184] {strides = array<i32>} : memref<5008xf32, #tpu.memory_space<vmem>>, vector<16xf32>,
      tpu.vector_store_idx %arg7[%get3A_183], %get3A_185 {add = true} : memref<10000xf32, #tpu.memory_space<vmem>>[vector<16xi32>], vector<16xf32>,
      %mul3A_186 = arith.constant 13 : i32
      %mul3A_187 = arith.muli %scan3A_64, %mul3A_186 : i32
      %add3A_188 = arith.constant 12 : i32
      %add3A_189 = arith.addi %mul3A_187, %add3A_188 : i32
      %mul3A_190 = arith.constant 16 : i32
      %mul3A_191 = arith.muli %add3A_189, %mul3A_190 : i32
      %get3A_192 = arith.index_cast %mul3A_191 : i32 to index
      %get3A_193 = tpu.vector_load %arg5[%get3A_192] {strides = array<i32>} : memref<5008xi32, #tpu.memory_space<vmem>>, vector<16xi32>,
      %get3A_194 = arith.index_cast %mul3A_191 : i32 to index
      %get3A_195 = tpu.vector_load %arg6[%get3A_194] {strides = array<i32>} : memref<5008xf32, #tpu.memory_space<vmem>>, vector<16xf32>,
      tpu.vector_store_idx %arg7[%get3A_193], %get3A_195 {add = true} : memref<10000xf32, #tpu.memory_space<vmem>>[vector<16xi32>], vector<16xf32>,
      %scan3A_196 = arith.constant 0 : i32
      scf.yield %scan3A_196 : i32
    }
    %scan3A_38 = arith.constant 24 : i32
    %get3A = arith.constant 4992 : index
    %get3A_39 = tpu.vector_load %arg5[%get3A] {strides = array<i32>} : memref<5008xi32, #tpu.memory_space<vmem>>, vector<16xi32>,
    %get3A_40 = arith.constant 4992 : index
    %get3A_41 = tpu.vector_load %arg6[%get3A_40] {strides = array<i32>} : memref<5008xf32, #tpu.memory_space<vmem>>, vector<16xf32>,
    %iota3A = tpu.iota {dimensions = array<i32: 0>} : vector<16xi32>
    %lt3A = arith.constant 8 : i32
    %lt3A_42 = vector.broadcast %lt3A : i32 to vector<16xi32>
    %lt3A_43 = arith.cmpi slt, %iota3A, %lt3A_42 : vector<16xi32>
    tpu.vector_store_idx %arg7[%get3A_39], %get3A_41 masked %lt3A_43 {add = true} : memref<10000xf32, #tpu.memory_space<vmem>>[vector<16xi32>], vector<16xf32>, vector<16xi1>
    %mul3A_44 = arith.constant 2048 : i32
    %mul3A_45 = arith.muli %add3A, %mul3A_44 : i32
    %add3A_46 = arith.constant 0 : i32
    %add3A_47 = arith.addi %add3A_46, %mul3A_45 : i32
    "tpu.region"() ({
      %run_scoped3A = tpu.sem_alloc : memref<!tpu.dma_semaphore, #tpu.memory_space<semaphore_mem>>
      %dma_start3A_64 = arith.constant 0 : i32
      %dma_start3A_65 = tpu.memref_slice %arg7[%dma_start3A_64] : memref<10000xf32, #tpu.memory_space<vmem>> -> memref<2000xf32, #tpu.memory_space<vmem>>
      %dma_start3A_66 = tpu.memref_slice %arg4[%add3A_47] : memref<327680xf32, #tpu.memory_space<hbm>> -> memref<2000xf32, #tpu.memory_space<hbm>>
      %dma_start3A_67 = tpu.memref_slice %arg4[%add3A_47] : memref<327680xf32, #tpu.memory_space<hbm>> -> memref<2000xf32, #tpu.memory_space<hbm>>
      %dma_start3A_68 = arith.constant 0 : i32
      %dma_start3A_69 = tpu.memref_slice %arg7[%dma_start3A_68] : memref<10000xf32, #tpu.memory_space<vmem>> -> memref<2000xf32, #tpu.memory_space<vmem>>
      tpu.enqueue_dma source(%dma_start3A_69 : memref<2000xf32, #tpu.memory_space<vmem>>) target(%dma_start3A_67 : memref<2000xf32, #tpu.memory_space<hbm>>) target_semaphore(%run_scoped3A : memref<!tpu.dma_semaphore, #tpu.memory_space<semaphore_mem>>)
      %dma_wait3A_70 = arith.constant 0 : i32
      %dma_wait3A_71 = tpu.memref_slice %arg7[%dma_wait3A_70] : memref<10000xf32, #tpu.memory_space<vmem>> -> memref<2000xf32, #tpu.memory_space<vmem>>
      %dma_wait3A_72 = tpu.memref_slice %arg4[%add3A_47] : memref<327680xf32, #tpu.memory_space<hbm>> -> memref<2000xf32, #tpu.memory_space<hbm>>
      %dma_wait3A_73 = tpu.memref_slice %arg4[%add3A_47] : memref<327680xf32, #tpu.memory_space<hbm>> -> memref<2000xf32, #tpu.memory_space<hbm>>
      %dma_wait3A_74 = arith.constant 0 : i32
      %dma_wait3A_75 = tpu.memref_slice %arg7[%dma_wait3A_74] : memref<10000xf32, #tpu.memory_space<vmem>> -> memref<2000xf32, #tpu.memory_space<vmem>>
      tpu.wait_dma2 semaphore(%run_scoped3A : memref<!tpu.dma_semaphore, #tpu.memory_space<semaphore_mem>>) src(%dma_wait3A_75 : memref<2000xf32, #tpu.memory_space<vmem>>) dst(%dma_wait3A_73 : memref<2000xf32, #tpu.memory_space<hbm>>)
      tpu.yield
    }) : () -> ()
    %mul3A_48 = arith.constant 2048 : i32
    %mul3A_49 = arith.muli %add3A, %mul3A_48 : i32
    %add3A_50 = arith.constant 65536 : i32
    %add3A_51 = arith.addi %add3A_50, %mul3A_49 : i32
    "tpu.region"() ({
      %run_scoped3A = tpu.sem_alloc : memref<!tpu.dma_semaphore, #tpu.memory_space<semaphore_mem>>
      %dma_start3A_64 = arith.constant 2000 : i32
      %dma_start3A_65 = tpu.memref_slice %arg7[%dma_start3A_64] : memref<10000xf32, #tpu.memory_space<vmem>> -> memref<2000xf32, #tpu.memory_space<vmem>>
      %dma_start3A_66 = tpu.memref_slice %arg4[%add3A_51] : memref<327680xf32, #tpu.memory_space<hbm>> -> memref<2000xf32, #tpu.memory_space<hbm>>
      %dma_start3A_67 = tpu.memref_slice %arg4[%add3A_51] : memref<327680xf32, #tpu.memory_space<hbm>> -> memref<2000xf32, #tpu.memory_space<hbm>>
      %dma_start3A_68 = arith.constant 2000 : i32
      %dma_start3A_69 = tpu.memref_slice %arg7[%dma_start3A_68] : memref<10000xf32, #tpu.memory_space<vmem>> -> memref<2000xf32, #tpu.memory_space<vmem>>
      tpu.enqueue_dma source(%dma_start3A_69 : memref<2000xf32, #tpu.memory_space<vmem>>) target(%dma_start3A_67 : memref<2000xf32, #tpu.memory_space<hbm>>) target_semaphore(%run_scoped3A : memref<!tpu.dma_semaphore, #tpu.memory_space<semaphore_mem>>)
      %dma_wait3A_70 = arith.constant 2000 : i32
      %dma_wait3A_71 = tpu.memref_slice %arg7[%dma_wait3A_70] : memref<10000xf32, #tpu.memory_space<vmem>> -> memref<2000xf32, #tpu.memory_space<vmem>>
      %dma_wait3A_72 = tpu.memref_slice %arg4[%add3A_51] : memref<327680xf32, #tpu.memory_space<hbm>> -> memref<2000xf32, #tpu.memory_space<hbm>>
      %dma_wait3A_73 = tpu.memref_slice %arg4[%add3A_51] : memref<327680xf32, #tpu.memory_space<hbm>> -> memref<2000xf32, #tpu.memory_space<hbm>>
      %dma_wait3A_74 = arith.constant 2000 : i32
      %dma_wait3A_75 = tpu.memref_slice %arg7[%dma_wait3A_74] : memref<10000xf32, #tpu.memory_space<vmem>> -> memref<2000xf32, #tpu.memory_space<vmem>>
      tpu.wait_dma2 semaphore(%run_scoped3A : memref<!tpu.dma_semaphore, #tpu.memory_space<semaphore_mem>>) src(%dma_wait3A_75 : memref<2000xf32, #tpu.memory_space<vmem>>) dst(%dma_wait3A_73 : memref<2000xf32, #tpu.memory_space<hbm>>)
      tpu.yield
    }) : () -> ()
    %mul3A_52 = arith.constant 2048 : i32
    %mul3A_53 = arith.muli %add3A, %mul3A_52 : i32
    %add3A_54 = arith.constant 131072 : i32
    %add3A_55 = arith.addi %add3A_54, %mul3A_53 : i32
    "tpu.region"() ({
      %run_scoped3A = tpu.sem_alloc : memref<!tpu.dma_semaphore, #tpu.memory_space<semaphore_mem>>
      %dma_start3A_64 = arith.constant 4000 : i32
      %dma_start3A_65 = tpu.memref_slice %arg7[%dma_start3A_64] : memref<10000xf32, #tpu.memory_space<vmem>> -> memref<2000xf32, #tpu.memory_space<vmem>>
      %dma_start3A_66 = tpu.memref_slice %arg4[%add3A_55] : memref<327680xf32, #tpu.memory_space<hbm>> -> memref<2000xf32, #tpu.memory_space<hbm>>
      %dma_start3A_67 = tpu.memref_slice %arg4[%add3A_55] : memref<327680xf32, #tpu.memory_space<hbm>> -> memref<2000xf32, #tpu.memory_space<hbm>>
      %dma_start3A_68 = arith.constant 4000 : i32
      %dma_start3A_69 = tpu.memref_slice %arg7[%dma_start3A_68] : memref<10000xf32, #tpu.memory_space<vmem>> -> memref<2000xf32, #tpu.memory_space<vmem>>
      tpu.enqueue_dma source(%dma_start3A_69 : memref<2000xf32, #tpu.memory_space<vmem>>) target(%dma_start3A_67 : memref<2000xf32, #tpu.memory_space<hbm>>) target_semaphore(%run_scoped3A : memref<!tpu.dma_semaphore, #tpu.memory_space<semaphore_mem>>)
      %dma_wait3A_70 = arith.constant 4000 : i32
      %dma_wait3A_71 = tpu.memref_slice %arg7[%dma_wait3A_70] : memref<10000xf32, #tpu.memory_space<vmem>> -> memref<2000xf32, #tpu.memory_space<vmem>>
      %dma_wait3A_72 = tpu.memref_slice %arg4[%add3A_55] : memref<327680xf32, #tpu.memory_space<hbm>> -> memref<2000xf32, #tpu.memory_space<hbm>>
      %dma_wait3A_73 = tpu.memref_slice %arg4[%add3A_55] : memref<327680xf32, #tpu.memory_space<hbm>> -> memref<2000xf32, #tpu.memory_space<hbm>>
      %dma_wait3A_74 = arith.constant 4000 : i32
      %dma_wait3A_75 = tpu.memref_slice %arg7[%dma_wait3A_74] : memref<10000xf32, #tpu.memory_space<vmem>> -> memref<2000xf32, #tpu.memory_space<vmem>>
      tpu.wait_dma2 semaphore(%run_scoped3A : memref<!tpu.dma_semaphore, #tpu.memory_space<semaphore_mem>>) src(%dma_wait3A_75 : memref<2000xf32, #tpu.memory_space<vmem>>) dst(%dma_wait3A_73 : memref<2000xf32, #tpu.memory_space<hbm>>)
      tpu.yield
    }) : () -> ()
    %mul3A_56 = arith.constant 2048 : i32
    %mul3A_57 = arith.muli %add3A, %mul3A_56 : i32
    %add3A_58 = arith.constant 196608 : i32
    %add3A_59 = arith.addi %add3A_58, %mul3A_57 : i32
    "tpu.region"() ({
      %run_scoped3A = tpu.sem_alloc : memref<!tpu.dma_semaphore, #tpu.memory_space<semaphore_mem>>
      %dma_start3A_64 = arith.constant 6000 : i32
      %dma_start3A_65 = tpu.memref_slice %arg7[%dma_start3A_64] : memref<10000xf32, #tpu.memory_space<vmem>> -> memref<2000xf32, #tpu.memory_space<vmem>>
      %dma_start3A_66 = tpu.memref_slice %arg4[%add3A_59] : memref<327680xf32, #tpu.memory_space<hbm>> -> memref<2000xf32, #tpu.memory_space<hbm>>
      %dma_start3A_67 = tpu.memref_slice %arg4[%add3A_59] : memref<327680xf32, #tpu.memory_space<hbm>> -> memref<2000xf32, #tpu.memory_space<hbm>>
      %dma_start3A_68 = arith.constant 6000 : i32
      %dma_start3A_69 = tpu.memref_slice %arg7[%dma_start3A_68] : memref<10000xf32, #tpu.memory_space<vmem>> -> memref<2000xf32, #tpu.memory_space<vmem>>
      tpu.enqueue_dma source(%dma_start3A_69 : memref<2000xf32, #tpu.memory_space<vmem>>) target(%dma_start3A_67 : memref<2000xf32, #tpu.memory_space<hbm>>) target_semaphore(%run_scoped3A : memref<!tpu.dma_semaphore, #tpu.memory_space<semaphore_mem>>)
      %dma_wait3A_70 = arith.constant 6000 : i32
      %dma_wait3A_71 = tpu.memref_slice %arg7[%dma_wait3A_70] : memref<10000xf32, #tpu.memory_space<vmem>> -> memref<2000xf32, #tpu.memory_space<vmem>>
      %dma_wait3A_72 = tpu.memref_slice %arg4[%add3A_59] : memref<327680xf32, #tpu.memory_space<hbm>> -> memref<2000xf32, #tpu.memory_space<hbm>>
      %dma_wait3A_73 = tpu.memref_slice %arg4[%add3A_59] : memref<327680xf32, #tpu.memory_space<hbm>> -> memref<2000xf32, #tpu.memory_space<hbm>>
      %dma_wait3A_74 = arith.constant 6000 : i32
      %dma_wait3A_75 = tpu.memref_slice %arg7[%dma_wait3A_74] : memref<10000xf32, #tpu.memory_space<vmem>> -> memref<2000xf32, #tpu.memory_space<vmem>>
      tpu.wait_dma2 semaphore(%run_scoped3A : memref<!tpu.dma_semaphore, #tpu.memory_space<semaphore_mem>>) src(%dma_wait3A_75 : memref<2000xf32, #tpu.memory_space<vmem>>) dst(%dma_wait3A_73 : memref<2000xf32, #tpu.memory_space<hbm>>)
      tpu.yield
    }) : () -> ()
    %mul3A_60 = arith.constant 2048 : i32
    %mul3A_61 = arith.muli %add3A, %mul3A_60 : i32
    %add3A_62 = arith.constant 262144 : i32
    %add3A_63 = arith.addi %add3A_62, %mul3A_61 : i32
    "tpu.region"() ({
      %run_scoped3A = tpu.sem_alloc : memref<!tpu.dma_semaphore, #tpu.memory_space<semaphore_mem>>
      %dma_start3A_64 = arith.constant 8000 : i32
      %dma_start3A_65 = tpu.memref_slice %arg7[%dma_start3A_64] : memref<10000xf32, #tpu.memory_space<vmem>> -> memref<2000xf32, #tpu.memory_space<vmem>>
      %dma_start3A_66 = tpu.memref_slice %arg4[%add3A_63] : memref<327680xf32, #tpu.memory_space<hbm>> -> memref<2000xf32, #tpu.memory_space<hbm>>
      %dma_start3A_67 = tpu.memref_slice %arg4[%add3A_63] : memref<327680xf32, #tpu.memory_space<hbm>> -> memref<2000xf32, #tpu.memory_space<hbm>>
      %dma_start3A_68 = arith.constant 8000 : i32
      %dma_start3A_69 = tpu.memref_slice %arg7[%dma_start3A_68] : memref<10000xf32, #tpu.memory_space<vmem>> -> memref<2000xf32, #tpu.memory_space<vmem>>
      tpu.enqueue_dma source(%dma_start3A_69 : memref<2000xf32, #tpu.memory_space<vmem>>) target(%dma_start3A_67 : memref<2000xf32, #tpu.memory_space<hbm>>) target_semaphore(%run_scoped3A : memref<!tpu.dma_semaphore, #tpu.memory_space<semaphore_mem>>)
      %dma_wait3A_70 = arith.constant 8000 : i32
      %dma_wait3A_71 = tpu.memref_slice %arg7[%dma_wait3A_70] : memref<10000xf32, #tpu.memory_space<vmem>> -> memref<2000xf32, #tpu.memory_space<vmem>>
      %dma_wait3A_72 = tpu.memref_slice %arg4[%add3A_63] : memref<327680xf32, #tpu.memory_space<hbm>> -> memref<2000xf32, #tpu.memory_space<hbm>>
      %dma_wait3A_73 = tpu.memref_slice %arg4[%add3A_63] : memref<327680xf32, #tpu.memory_space<hbm>> -> memref<2000xf32, #tpu.memory_space<hbm>>
      %dma_wait3A_74 = arith.constant 8000 : i32
      %dma_wait3A_75 = tpu.memref_slice %arg7[%dma_wait3A_74] : memref<10000xf32, #tpu.memory_space<vmem>> -> memref<2000xf32, #tpu.memory_space<vmem>>
      tpu.wait_dma2 semaphore(%run_scoped3A : memref<!tpu.dma_semaphore, #tpu.memory_space<semaphore_mem>>) src(%dma_wait3A_75 : memref<2000xf32, #tpu.memory_space<vmem>>) dst(%dma_wait3A_73 : memref<2000xf32, #tpu.memory_space<hbm>>)
      tpu.yield
    }) : () -> ()
    return
  }
}

module attributes {stable_mosaic.version = 14 : i64} {
  func.func @_tc_hidden_body(%arg0: i32, %arg1: memref<2000x256xf32, #tpu.memory_space<vmem>>, %arg2: memref<256x256xf32, #tpu.memory_space<vmem>>, %arg3: memref<1x256xf32, #tpu.memory_space<vmem>>, %arg4: memref<2000x256xf8E4M3FN, #tpu.memory_space<vmem>>) attributes {dimension_semantics = [#tpu.dimension_semantics<arbitrary>], iteration_bounds = array<i64: 5>, scalar_prefetch = 0 : i64, scratch_operands = 0 : i64, tpu.core_type = #tpu.core_type<tc>, window_params = [{transform_indices = @transform_0, window_bounds = array<i64: 2000, 256>}, {pipeline_mode = #tpu.pipeline_mode<synchronous>, transform_indices = @transform_1, window_bounds = array<i64: 256, 256>}, {pipeline_mode = #tpu.pipeline_mode<synchronous>, transform_indices = @transform_2, window_bounds = array<i64: 1, 256>}, {transform_indices = @transform_3, window_bounds = array<i64: 2000, 256>}]} {
    %get3A = arith.constant 0 : index
    %get3A_0 = arith.constant 0 : index
    %get3A_1 = vector.load %arg1[%get3A, %get3A_0] : memref<2000x256xf32, #tpu.memory_space<vmem>>, vector<2000x256xf32>
    %convert_element_type3A = arith.truncf %get3A_1 : vector<2000x256xf32> to vector<2000x256xbf16>
    %get3A_2 = arith.constant 0 : index
    %get3A_3 = arith.constant 0 : index
    %get3A_4 = vector.load %arg2[%get3A_2, %get3A_3] : memref<256x256xf32, #tpu.memory_space<vmem>>, vector<256x256xf32>
    %convert_element_type3A_5 = arith.truncf %get3A_4 : vector<256x256xf32> to vector<256x256xbf16>
    %dot_general3A = arith.constant dense<0.000000e+00> : vector<2000x256xf32>
    %dot_general3A_6 = tpu.matmul %convert_element_type3A, %convert_element_type3A_5, %dot_general3A {dimension_numbers = #tpu.dot_dimension_numbers<[1], [1], [0], [0], [0, 0, 1, 0], [], []>, transpose_lhs_hint = false} : vector<2000x256xbf16>, vector<256x256xbf16>, vector<2000x256xf32> -> vector<2000x256xf32>
    %get3A_7 = arith.constant 0 : index
    %get3A_8 = arith.constant 0 : index
    %get3A_9 = vector.load %arg3[%get3A_7, %get3A_8] : memref<1x256xf32, #tpu.memory_space<vmem>>, vector<1x256xf32>
    %add3A = vector.broadcast %get3A_9 : vector<1x256xf32> to vector<2000x256xf32>
    %add3A_10 = arith.addf %dot_general3A_6, %add3A : vector<2000x256xf32>
    %max3A = arith.constant 0.000000e+00 : f32
    %max3A_11 = vector.broadcast %max3A : f32 to vector<2000x256xf32>
    %max3A_12 = arith.maximumf %add3A_10, %max3A_11 : vector<2000x256xf32>
    %convert_element_type3A_13 = arith.truncf %max3A_12 : vector<2000x256xf32> to vector<2000x256xf8E4M3FN>
    %swap3A = arith.constant 0 : index
    %swap3A_14 = arith.constant 0 : index
    %swap3A_15 = vector.load %arg4[%swap3A, %swap3A_14] : memref<2000x256xf8E4M3FN, #tpu.memory_space<vmem>>, vector<2000x256xf8E4M3FN>
    tpu.vector_store %arg4[%swap3A, %swap3A_14], %convert_element_type3A_13 {strides = array<i32>} : memref<2000x256xf8E4M3FN, #tpu.memory_space<vmem>>, vector<2000x256xf8E4M3FN>,
    return
  }
  func.func @transform_0(%arg0: i32) -> (i32, i32) {
    %c0_i32 = arith.constant 0 : i32
    %c0_i32_0 = arith.constant 0 : i32
    return %arg0, %c0_i32 : i32, i32
  }
  func.func @transform_1(%arg0: i32) -> (i32, i32) {
    %c0_i32 = arith.constant 0 : i32
    %c0_i32_0 = arith.constant 0 : i32
    %c0_i32_1 = arith.constant 0 : i32
    return %c0_i32, %c0_i32_0 : i32, i32
  }
  func.func @transform_2(%arg0: i32) -> (i32, i32) {
    %c0_i32 = arith.constant 0 : i32
    %c0_i32_0 = arith.constant 0 : i32
    %c0_i32_1 = arith.constant 0 : i32
    return %c0_i32, %c0_i32_0 : i32, i32
  }
  func.func @transform_3(%arg0: i32) -> (i32, i32) {
    %c0_i32 = arith.constant 0 : i32
    %c0_i32_0 = arith.constant 0 : i32
    return %arg0, %c0_i32 : i32, i32
  }
}

module attributes {stable_mosaic.version = 14 : i64} {
  func.func @_tc_combine_body(%arg0: memref<327680xf32, #tpu.memory_space<vmem>>, %arg1: memref<10000x256xf8E4M3FN, #tpu.memory_space<vmem>>, %arg2: memref<1x256xf32, #tpu.memory_space<vmem>>) attributes {dimension_semantics = [], scalar_prefetch = 0 : i64, scratch_operands = 0 : i64, tpu.core_type = #tpu.core_type<tc>} {
    %broadcast_in_dim3A = arith.constant 0.000000e+00 : f32
    %broadcast_in_dim3A_0 = vector.broadcast %broadcast_in_dim3A : f32 to vector<1x256xf32>
    %get3A = arith.constant 0 : index
    %get3A_1 = vector.load %arg0[%get3A] : memref<327680xf32, #tpu.memory_space<vmem>>, vector<2000xf32>
    %get3A_2 = arith.constant 2048 : index
    %get3A_3 = vector.load %arg0[%get3A_2] : memref<327680xf32, #tpu.memory_space<vmem>>, vector<2000xf32>
    %add3A = arith.addf %get3A_1, %get3A_3 : vector<2000xf32>
    %get3A_4 = arith.constant 4096 : index
    %get3A_5 = vector.load %arg0[%get3A_4] : memref<327680xf32, #tpu.memory_space<vmem>>, vector<2000xf32>
    %add3A_6 = arith.addf %add3A, %get3A_5 : vector<2000xf32>
    %get3A_7 = arith.constant 6144 : index
    %get3A_8 = vector.load %arg0[%get3A_7] : memref<327680xf32, #tpu.memory_space<vmem>>, vector<2000xf32>
    %add3A_9 = arith.addf %add3A_6, %get3A_8 : vector<2000xf32>
    %get3A_10 = arith.constant 8192 : index
    %get3A_11 = vector.load %arg0[%get3A_10] : memref<327680xf32, #tpu.memory_space<vmem>>, vector<2000xf32>
    %add3A_12 = arith.addf %add3A_9, %get3A_11 : vector<2000xf32>
    %get3A_13 = arith.constant 10240 : index
    %get3A_14 = vector.load %arg0[%get3A_13] : memref<327680xf32, #tpu.memory_space<vmem>>, vector<2000xf32>
    %add3A_15 = arith.addf %add3A_12, %get3A_14 : vector<2000xf32>
    %get3A_16 = arith.constant 12288 : index
    %get3A_17 = vector.load %arg0[%get3A_16] : memref<327680xf32, #tpu.memory_space<vmem>>, vector<2000xf32>
    %add3A_18 = arith.addf %add3A_15, %get3A_17 : vector<2000xf32>
    %get3A_19 = arith.constant 14336 : index
    %get3A_20 = vector.load %arg0[%get3A_19] : memref<327680xf32, #tpu.memory_space<vmem>>, vector<2000xf32>
    %add3A_21 = arith.addf %add3A_18, %get3A_20 : vector<2000xf32>
    %get3A_22 = arith.constant 16384 : index
    %get3A_23 = vector.load %arg0[%get3A_22] : memref<327680xf32, #tpu.memory_space<vmem>>, vector<2000xf32>
    %add3A_24 = arith.addf %add3A_21, %get3A_23 : vector<2000xf32>
    %get3A_25 = arith.constant 18432 : index
    %get3A_26 = vector.load %arg0[%get3A_25] : memref<327680xf32, #tpu.memory_space<vmem>>, vector<2000xf32>
    %add3A_27 = arith.addf %add3A_24, %get3A_26 : vector<2000xf32>
    %get3A_28 = arith.constant 20480 : index
    %get3A_29 = vector.load %arg0[%get3A_28] : memref<327680xf32, #tpu.memory_space<vmem>>, vector<2000xf32>
    %add3A_30 = arith.addf %add3A_27, %get3A_29 : vector<2000xf32>
    %get3A_31 = arith.constant 22528 : index
    %get3A_32 = vector.load %arg0[%get3A_31] : memref<327680xf32, #tpu.memory_space<vmem>>, vector<2000xf32>
    %add3A_33 = arith.addf %add3A_30, %get3A_32 : vector<2000xf32>
    %get3A_34 = arith.constant 24576 : index
    %get3A_35 = vector.load %arg0[%get3A_34] : memref<327680xf32, #tpu.memory_space<vmem>>, vector<2000xf32>
    %add3A_36 = arith.addf %add3A_33, %get3A_35 : vector<2000xf32>
    %get3A_37 = arith.constant 26624 : index
    %get3A_38 = vector.load %arg0[%get3A_37] : memref<327680xf32, #tpu.memory_space<vmem>>, vector<2000xf32>
    %add3A_39 = arith.addf %add3A_36, %get3A_38 : vector<2000xf32>
    %get3A_40 = arith.constant 28672 : index
    %get3A_41 = vector.load %arg0[%get3A_40] : memref<327680xf32, #tpu.memory_space<vmem>>, vector<2000xf32>
    %add3A_42 = arith.addf %add3A_39, %get3A_41 : vector<2000xf32>
    %get3A_43 = arith.constant 30720 : index
    %get3A_44 = vector.load %arg0[%get3A_43] : memref<327680xf32, #tpu.memory_space<vmem>>, vector<2000xf32>
    %add3A_45 = arith.addf %add3A_42, %get3A_44 : vector<2000xf32>
    %get3A_46 = arith.constant 32768 : index
    %get3A_47 = vector.load %arg0[%get3A_46] : memref<327680xf32, #tpu.memory_space<vmem>>, vector<2000xf32>
    %add3A_48 = arith.addf %add3A_45, %get3A_47 : vector<2000xf32>
    %get3A_49 = arith.constant 34816 : index
    %get3A_50 = vector.load %arg0[%get3A_49] : memref<327680xf32, #tpu.memory_space<vmem>>, vector<2000xf32>
    %add3A_51 = arith.addf %add3A_48, %get3A_50 : vector<2000xf32>
    %get3A_52 = arith.constant 36864 : index
    %get3A_53 = vector.load %arg0[%get3A_52] : memref<327680xf32, #tpu.memory_space<vmem>>, vector<2000xf32>
    %add3A_54 = arith.addf %add3A_51, %get3A_53 : vector<2000xf32>
    %get3A_55 = arith.constant 38912 : index
    %get3A_56 = vector.load %arg0[%get3A_55] : memref<327680xf32, #tpu.memory_space<vmem>>, vector<2000xf32>
    %add3A_57 = arith.addf %add3A_54, %get3A_56 : vector<2000xf32>
    %get3A_58 = arith.constant 40960 : index
    %get3A_59 = vector.load %arg0[%get3A_58] : memref<327680xf32, #tpu.memory_space<vmem>>, vector<2000xf32>
    %add3A_60 = arith.addf %add3A_57, %get3A_59 : vector<2000xf32>
    %get3A_61 = arith.constant 43008 : index
    %get3A_62 = vector.load %arg0[%get3A_61] : memref<327680xf32, #tpu.memory_space<vmem>>, vector<2000xf32>
    %add3A_63 = arith.addf %add3A_60, %get3A_62 : vector<2000xf32>
    %get3A_64 = arith.constant 45056 : index
    %get3A_65 = vector.load %arg0[%get3A_64] : memref<327680xf32, #tpu.memory_space<vmem>>, vector<2000xf32>
    %add3A_66 = arith.addf %add3A_63, %get3A_65 : vector<2000xf32>
    %get3A_67 = arith.constant 47104 : index
    %get3A_68 = vector.load %arg0[%get3A_67] : memref<327680xf32, #tpu.memory_space<vmem>>, vector<2000xf32>
    %add3A_69 = arith.addf %add3A_66, %get3A_68 : vector<2000xf32>
    %get3A_70 = arith.constant 49152 : index
    %get3A_71 = vector.load %arg0[%get3A_70] : memref<327680xf32, #tpu.memory_space<vmem>>, vector<2000xf32>
    %add3A_72 = arith.addf %add3A_69, %get3A_71 : vector<2000xf32>
    %get3A_73 = arith.constant 51200 : index
    %get3A_74 = vector.load %arg0[%get3A_73] : memref<327680xf32, #tpu.memory_space<vmem>>, vector<2000xf32>
    %add3A_75 = arith.addf %add3A_72, %get3A_74 : vector<2000xf32>
    %get3A_76 = arith.constant 53248 : index
    %get3A_77 = vector.load %arg0[%get3A_76] : memref<327680xf32, #tpu.memory_space<vmem>>, vector<2000xf32>
    %add3A_78 = arith.addf %add3A_75, %get3A_77 : vector<2000xf32>
    %get3A_79 = arith.constant 55296 : index
    %get3A_80 = vector.load %arg0[%get3A_79] : memref<327680xf32, #tpu.memory_space<vmem>>, vector<2000xf32>
    %add3A_81 = arith.addf %add3A_78, %get3A_80 : vector<2000xf32>
    %get3A_82 = arith.constant 57344 : index
    %get3A_83 = vector.load %arg0[%get3A_82] : memref<327680xf32, #tpu.memory_space<vmem>>, vector<2000xf32>
    %add3A_84 = arith.addf %add3A_81, %get3A_83 : vector<2000xf32>
    %get3A_85 = arith.constant 59392 : index
    %get3A_86 = vector.load %arg0[%get3A_85] : memref<327680xf32, #tpu.memory_space<vmem>>, vector<2000xf32>
    %add3A_87 = arith.addf %add3A_84, %get3A_86 : vector<2000xf32>
    %get3A_88 = arith.constant 61440 : index
    %get3A_89 = vector.load %arg0[%get3A_88] : memref<327680xf32, #tpu.memory_space<vmem>>, vector<2000xf32>
    %add3A_90 = arith.addf %add3A_87, %get3A_89 : vector<2000xf32>
    %get3A_91 = arith.constant 63488 : index
    %get3A_92 = vector.load %arg0[%get3A_91] : memref<327680xf32, #tpu.memory_space<vmem>>, vector<2000xf32>
    %add3A_93 = arith.addf %add3A_90, %get3A_92 : vector<2000xf32>
    %broadcast_in_dim3A_94 = vector.shape_cast %add3A_93 : vector<2000xf32> to vector<1x2000xf32>
    %convert_element_type3A = arith.truncf %broadcast_in_dim3A_94 : vector<1x2000xf32> to vector<1x2000xbf16>
    %get3A_95 = arith.constant 0 : index
    %get3A_96 = arith.constant 0 : index
    %get3A_97 = vector.load %arg1[%get3A_95, %get3A_96] : memref<10000x256xf8E4M3FN, #tpu.memory_space<vmem>>, vector<2000x256xf8E4M3FN>
    %convert_element_type3A_98 = arith.extf %get3A_97 : vector<2000x256xf8E4M3FN> to vector<2000x256xbf16>
    %dot_general3A = arith.constant dense<0.000000e+00> : vector<1x256xf32>
    %dot_general3A_99 = tpu.matmul %convert_element_type3A, %convert_element_type3A_98, %dot_general3A {dimension_numbers = #tpu.dot_dimension_numbers<[1], [0], [0], [1], [0, 0, 1, 1], [], []>, transpose_lhs_hint = false} : vector<1x2000xbf16>, vector<2000x256xbf16>, vector<1x256xf32> -> vector<1x256xf32>
    %add3A_100 = arith.addf %broadcast_in_dim3A_0, %dot_general3A_99 : vector<1x256xf32>
    %reduce_sum3A = vector.shape_cast %add3A_93 : vector<2000xf32> to vector<1x2000xf32>
    %reduce_sum3A_101 = arith.constant dense<0.000000e+00> : vector<1xf32>
    %reduce_sum3A_102 = vector.multi_reduction <add>, %reduce_sum3A, %reduce_sum3A_101 [1] : vector<1x2000xf32> to vector<1xf32>
    %reduce_sum3A_103 = vector.shape_cast %reduce_sum3A_102 : vector<1xf32> to vector<1x1xf32>
    %reduce_sum3A_104 = vector.extract %reduce_sum3A_103[0, 0] : f32 from vector<1x1xf32>
    %add3A_105 = arith.constant 0.000000e+00 : f32
    %add3A_106 = arith.addf %add3A_105, %reduce_sum3A_104 : f32
    %get3A_107 = arith.constant 65536 : index
    %get3A_108 = vector.load %arg0[%get3A_107] : memref<327680xf32, #tpu.memory_space<vmem>>, vector<2000xf32>
    %get3A_109 = arith.constant 67584 : index
    %get3A_110 = vector.load %arg0[%get3A_109] : memref<327680xf32, #tpu.memory_space<vmem>>, vector<2000xf32>
    %add3A_111 = arith.addf %get3A_108, %get3A_110 : vector<2000xf32>
    %get3A_112 = arith.constant 69632 : index
    %get3A_113 = vector.load %arg0[%get3A_112] : memref<327680xf32, #tpu.memory_space<vmem>>, vector<2000xf32>
    %add3A_114 = arith.addf %add3A_111, %get3A_113 : vector<2000xf32>
    %get3A_115 = arith.constant 71680 : index
    %get3A_116 = vector.load %arg0[%get3A_115] : memref<327680xf32, #tpu.memory_space<vmem>>, vector<2000xf32>
    %add3A_117 = arith.addf %add3A_114, %get3A_116 : vector<2000xf32>
    %get3A_118 = arith.constant 73728 : index
    %get3A_119 = vector.load %arg0[%get3A_118] : memref<327680xf32, #tpu.memory_space<vmem>>, vector<2000xf32>
    %add3A_120 = arith.addf %add3A_117, %get3A_119 : vector<2000xf32>
    %get3A_121 = arith.constant 75776 : index
    %get3A_122 = vector.load %arg0[%get3A_121] : memref<327680xf32, #tpu.memory_space<vmem>>, vector<2000xf32>
    %add3A_123 = arith.addf %add3A_120, %get3A_122 : vector<2000xf32>
    %get3A_124 = arith.constant 77824 : index
    %get3A_125 = vector.load %arg0[%get3A_124] : memref<327680xf32, #tpu.memory_space<vmem>>, vector<2000xf32>
    %add3A_126 = arith.addf %add3A_123, %get3A_125 : vector<2000xf32>
    %get3A_127 = arith.constant 79872 : index
    %get3A_128 = vector.load %arg0[%get3A_127] : memref<327680xf32, #tpu.memory_space<vmem>>, vector<2000xf32>
    %add3A_129 = arith.addf %add3A_126, %get3A_128 : vector<2000xf32>
    %get3A_130 = arith.constant 81920 : index
    %get3A_131 = vector.load %arg0[%get3A_130] : memref<327680xf32, #tpu.memory_space<vmem>>, vector<2000xf32>
    %add3A_132 = arith.addf %add3A_129, %get3A_131 : vector<2000xf32>
    %get3A_133 = arith.constant 83968 : index
    %get3A_134 = vector.load %arg0[%get3A_133] : memref<327680xf32, #tpu.memory_space<vmem>>, vector<2000xf32>
    %add3A_135 = arith.addf %add3A_132, %get3A_134 : vector<2000xf32>
    %get3A_136 = arith.constant 86016 : index
    %get3A_137 = vector.load %arg0[%get3A_136] : memref<327680xf32, #tpu.memory_space<vmem>>, vector<2000xf32>
    %add3A_138 = arith.addf %add3A_135, %get3A_137 : vector<2000xf32>
    %get3A_139 = arith.constant 88064 : index
    %get3A_140 = vector.load %arg0[%get3A_139] : memref<327680xf32, #tpu.memory_space<vmem>>, vector<2000xf32>
    %add3A_141 = arith.addf %add3A_138, %get3A_140 : vector<2000xf32>
    %get3A_142 = arith.constant 90112 : index
    %get3A_143 = vector.load %arg0[%get3A_142] : memref<327680xf32, #tpu.memory_space<vmem>>, vector<2000xf32>
    %add3A_144 = arith.addf %add3A_141, %get3A_143 : vector<2000xf32>
    %get3A_145 = arith.constant 92160 : index
    %get3A_146 = vector.load %arg0[%get3A_145] : memref<327680xf32, #tpu.memory_space<vmem>>, vector<2000xf32>
    %add3A_147 = arith.addf %add3A_144, %get3A_146 : vector<2000xf32>
    %get3A_148 = arith.constant 94208 : index
    %get3A_149 = vector.load %arg0[%get3A_148] : memref<327680xf32, #tpu.memory_space<vmem>>, vector<2000xf32>
    %add3A_150 = arith.addf %add3A_147, %get3A_149 : vector<2000xf32>
    %get3A_151 = arith.constant 96256 : index
    %get3A_152 = vector.load %arg0[%get3A_151] : memref<327680xf32, #tpu.memory_space<vmem>>, vector<2000xf32>
    %add3A_153 = arith.addf %add3A_150, %get3A_152 : vector<2000xf32>
    %get3A_154 = arith.constant 98304 : index
    %get3A_155 = vector.load %arg0[%get3A_154] : memref<327680xf32, #tpu.memory_space<vmem>>, vector<2000xf32>
    %add3A_156 = arith.addf %add3A_153, %get3A_155 : vector<2000xf32>
    %get3A_157 = arith.constant 100352 : index
    %get3A_158 = vector.load %arg0[%get3A_157] : memref<327680xf32, #tpu.memory_space<vmem>>, vector<2000xf32>
    %add3A_159 = arith.addf %add3A_156, %get3A_158 : vector<2000xf32>
    %get3A_160 = arith.constant 102400 : index
    %get3A_161 = vector.load %arg0[%get3A_160] : memref<327680xf32, #tpu.memory_space<vmem>>, vector<2000xf32>
    %add3A_162 = arith.addf %add3A_159, %get3A_161 : vector<2000xf32>
    %get3A_163 = arith.constant 104448 : index
    %get3A_164 = vector.load %arg0[%get3A_163] : memref<327680xf32, #tpu.memory_space<vmem>>, vector<2000xf32>
    %add3A_165 = arith.addf %add3A_162, %get3A_164 : vector<2000xf32>
    %get3A_166 = arith.constant 106496 : index
    %get3A_167 = vector.load %arg0[%get3A_166] : memref<327680xf32, #tpu.memory_space<vmem>>, vector<2000xf32>
    %add3A_168 = arith.addf %add3A_165, %get3A_167 : vector<2000xf32>
    %get3A_169 = arith.constant 108544 : index
    %get3A_170 = vector.load %arg0[%get3A_169] : memref<327680xf32, #tpu.memory_space<vmem>>, vector<2000xf32>
    %add3A_171 = arith.addf %add3A_168, %get3A_170 : vector<2000xf32>
    %get3A_172 = arith.constant 110592 : index
    %get3A_173 = vector.load %arg0[%get3A_172] : memref<327680xf32, #tpu.memory_space<vmem>>, vector<2000xf32>
    %add3A_174 = arith.addf %add3A_171, %get3A_173 : vector<2000xf32>
    %get3A_175 = arith.constant 112640 : index
    %get3A_176 = vector.load %arg0[%get3A_175] : memref<327680xf32, #tpu.memory_space<vmem>>, vector<2000xf32>
    %add3A_177 = arith.addf %add3A_174, %get3A_176 : vector<2000xf32>
    %get3A_178 = arith.constant 114688 : index
    %get3A_179 = vector.load %arg0[%get3A_178] : memref<327680xf32, #tpu.memory_space<vmem>>, vector<2000xf32>
    %add3A_180 = arith.addf %add3A_177, %get3A_179 : vector<2000xf32>
    %get3A_181 = arith.constant 116736 : index
    %get3A_182 = vector.load %arg0[%get3A_181] : memref<327680xf32, #tpu.memory_space<vmem>>, vector<2000xf32>
    %add3A_183 = arith.addf %add3A_180, %get3A_182 : vector<2000xf32>
    %get3A_184 = arith.constant 118784 : index
    %get3A_185 = vector.load %arg0[%get3A_184] : memref<327680xf32, #tpu.memory_space<vmem>>, vector<2000xf32>
    %add3A_186 = arith.addf %add3A_183, %get3A_185 : vector<2000xf32>
    %get3A_187 = arith.constant 120832 : index
    %get3A_188 = vector.load %arg0[%get3A_187] : memref<327680xf32, #tpu.memory_space<vmem>>, vector<2000xf32>
    %add3A_189 = arith.addf %add3A_186, %get3A_188 : vector<2000xf32>
    %get3A_190 = arith.constant 122880 : index
    %get3A_191 = vector.load %arg0[%get3A_190] : memref<327680xf32, #tpu.memory_space<vmem>>, vector<2000xf32>
    %add3A_192 = arith.addf %add3A_189, %get3A_191 : vector<2000xf32>
    %get3A_193 = arith.constant 124928 : index
    %get3A_194 = vector.load %arg0[%get3A_193] : memref<327680xf32, #tpu.memory_space<vmem>>, vector<2000xf32>
    %add3A_195 = arith.addf %add3A_192, %get3A_194 : vector<2000xf32>
    %get3A_196 = arith.constant 126976 : index
    %get3A_197 = vector.load %arg0[%get3A_196] : memref<327680xf32, #tpu.memory_space<vmem>>, vector<2000xf32>
    %add3A_198 = arith.addf %add3A_195, %get3A_197 : vector<2000xf32>
    %get3A_199 = arith.constant 129024 : index
    %get3A_200 = vector.load %arg0[%get3A_199] : memref<327680xf32, #tpu.memory_space<vmem>>, vector<2000xf32>
    %add3A_201 = arith.addf %add3A_198, %get3A_200 : vector<2000xf32>
    %broadcast_in_dim3A_202 = vector.shape_cast %add3A_201 : vector<2000xf32> to vector<1x2000xf32>
    %convert_element_type3A_203 = arith.truncf %broadcast_in_dim3A_202 : vector<1x2000xf32> to vector<1x2000xbf16>
    %get3A_204 = arith.constant 2000 : index
    %get3A_205 = arith.constant 0 : index
    %get3A_206 = vector.load %arg1[%get3A_204, %get3A_205] : memref<10000x256xf8E4M3FN, #tpu.memory_space<vmem>>, vector<2000x256xf8E4M3FN>
    %convert_element_type3A_207 = arith.extf %get3A_206 : vector<2000x256xf8E4M3FN> to vector<2000x256xbf16>
    %dot_general3A_208 = arith.constant dense<0.000000e+00> : vector<1x256xf32>
    %dot_general3A_209 = tpu.matmul %convert_element_type3A_203, %convert_element_type3A_207, %dot_general3A_208 {dimension_numbers = #tpu.dot_dimension_numbers<[1], [0], [0], [1], [0, 0, 1, 1], [], []>, transpose_lhs_hint = false} : vector<1x2000xbf16>, vector<2000x256xbf16>, vector<1x256xf32> -> vector<1x256xf32>
    %add3A_210 = arith.addf %add3A_100, %dot_general3A_209 : vector<1x256xf32>
    %reduce_sum3A_211 = vector.shape_cast %add3A_201 : vector<2000xf32> to vector<1x2000xf32>
    %reduce_sum3A_212 = arith.constant dense<0.000000e+00> : vector<1xf32>
    %reduce_sum3A_213 = vector.multi_reduction <add>, %reduce_sum3A_211, %reduce_sum3A_212 [1] : vector<1x2000xf32> to vector<1xf32>
    %reduce_sum3A_214 = vector.shape_cast %reduce_sum3A_213 : vector<1xf32> to vector<1x1xf32>
    %reduce_sum3A_215 = vector.extract %reduce_sum3A_214[0, 0] : f32 from vector<1x1xf32>
    %add3A_216 = arith.addf %add3A_106, %reduce_sum3A_215 : f32
    %get3A_217 = arith.constant 131072 : index
    %get3A_218 = vector.load %arg0[%get3A_217] : memref<327680xf32, #tpu.memory_space<vmem>>, vector<2000xf32>
    %get3A_219 = arith.constant 133120 : index
    %get3A_220 = vector.load %arg0[%get3A_219] : memref<327680xf32, #tpu.memory_space<vmem>>, vector<2000xf32>
    %add3A_221 = arith.addf %get3A_218, %get3A_220 : vector<2000xf32>
    %get3A_222 = arith.constant 135168 : index
    %get3A_223 = vector.load %arg0[%get3A_222] : memref<327680xf32, #tpu.memory_space<vmem>>, vector<2000xf32>
    %add3A_224 = arith.addf %add3A_221, %get3A_223 : vector<2000xf32>
    %get3A_225 = arith.constant 137216 : index
    %get3A_226 = vector.load %arg0[%get3A_225] : memref<327680xf32, #tpu.memory_space<vmem>>, vector<2000xf32>
    %add3A_227 = arith.addf %add3A_224, %get3A_226 : vector<2000xf32>
    %get3A_228 = arith.constant 139264 : index
    %get3A_229 = vector.load %arg0[%get3A_228] : memref<327680xf32, #tpu.memory_space<vmem>>, vector<2000xf32>
    %add3A_230 = arith.addf %add3A_227, %get3A_229 : vector<2000xf32>
    %get3A_231 = arith.constant 141312 : index
    %get3A_232 = vector.load %arg0[%get3A_231] : memref<327680xf32, #tpu.memory_space<vmem>>, vector<2000xf32>
    %add3A_233 = arith.addf %add3A_230, %get3A_232 : vector<2000xf32>
    %get3A_234 = arith.constant 143360 : index
    %get3A_235 = vector.load %arg0[%get3A_234] : memref<327680xf32, #tpu.memory_space<vmem>>, vector<2000xf32>
    %add3A_236 = arith.addf %add3A_233, %get3A_235 : vector<2000xf32>
    %get3A_237 = arith.constant 145408 : index
    %get3A_238 = vector.load %arg0[%get3A_237] : memref<327680xf32, #tpu.memory_space<vmem>>, vector<2000xf32>
    %add3A_239 = arith.addf %add3A_236, %get3A_238 : vector<2000xf32>
    %get3A_240 = arith.constant 147456 : index
    %get3A_241 = vector.load %arg0[%get3A_240] : memref<327680xf32, #tpu.memory_space<vmem>>, vector<2000xf32>
    %add3A_242 = arith.addf %add3A_239, %get3A_241 : vector<2000xf32>
    %get3A_243 = arith.constant 149504 : index
    %get3A_244 = vector.load %arg0[%get3A_243] : memref<327680xf32, #tpu.memory_space<vmem>>, vector<2000xf32>
    %add3A_245 = arith.addf %add3A_242, %get3A_244 : vector<2000xf32>
    %get3A_246 = arith.constant 151552 : index
    %get3A_247 = vector.load %arg0[%get3A_246] : memref<327680xf32, #tpu.memory_space<vmem>>, vector<2000xf32>
    %add3A_248 = arith.addf %add3A_245, %get3A_247 : vector<2000xf32>
    %get3A_249 = arith.constant 153600 : index
    %get3A_250 = vector.load %arg0[%get3A_249] : memref<327680xf32, #tpu.memory_space<vmem>>, vector<2000xf32>
    %add3A_251 = arith.addf %add3A_248, %get3A_250 : vector<2000xf32>
    %get3A_252 = arith.constant 155648 : index
    %get3A_253 = vector.load %arg0[%get3A_252] : memref<327680xf32, #tpu.memory_space<vmem>>, vector<2000xf32>
    %add3A_254 = arith.addf %add3A_251, %get3A_253 : vector<2000xf32>
    %get3A_255 = arith.constant 157696 : index
    %get3A_256 = vector.load %arg0[%get3A_255] : memref<327680xf32, #tpu.memory_space<vmem>>, vector<2000xf32>
    %add3A_257 = arith.addf %add3A_254, %get3A_256 : vector<2000xf32>
    %get3A_258 = arith.constant 159744 : index
    %get3A_259 = vector.load %arg0[%get3A_258] : memref<327680xf32, #tpu.memory_space<vmem>>, vector<2000xf32>
    %add3A_260 = arith.addf %add3A_257, %get3A_259 : vector<2000xf32>
    %get3A_261 = arith.constant 161792 : index
    %get3A_262 = vector.load %arg0[%get3A_261] : memref<327680xf32, #tpu.memory_space<vmem>>, vector<2000xf32>
    %add3A_263 = arith.addf %add3A_260, %get3A_262 : vector<2000xf32>
    %get3A_264 = arith.constant 163840 : index
    %get3A_265 = vector.load %arg0[%get3A_264] : memref<327680xf32, #tpu.memory_space<vmem>>, vector<2000xf32>
    %add3A_266 = arith.addf %add3A_263, %get3A_265 : vector<2000xf32>
    %get3A_267 = arith.constant 165888 : index
    %get3A_268 = vector.load %arg0[%get3A_267] : memref<327680xf32, #tpu.memory_space<vmem>>, vector<2000xf32>
    %add3A_269 = arith.addf %add3A_266, %get3A_268 : vector<2000xf32>
    %get3A_270 = arith.constant 167936 : index
    %get3A_271 = vector.load %arg0[%get3A_270] : memref<327680xf32, #tpu.memory_space<vmem>>, vector<2000xf32>
    %add3A_272 = arith.addf %add3A_269, %get3A_271 : vector<2000xf32>
    %get3A_273 = arith.constant 169984 : index
    %get3A_274 = vector.load %arg0[%get3A_273] : memref<327680xf32, #tpu.memory_space<vmem>>, vector<2000xf32>
    %add3A_275 = arith.addf %add3A_272, %get3A_274 : vector<2000xf32>
    %get3A_276 = arith.constant 172032 : index
    %get3A_277 = vector.load %arg0[%get3A_276] : memref<327680xf32, #tpu.memory_space<vmem>>, vector<2000xf32>
    %add3A_278 = arith.addf %add3A_275, %get3A_277 : vector<2000xf32>
    %get3A_279 = arith.constant 174080 : index
    %get3A_280 = vector.load %arg0[%get3A_279] : memref<327680xf32, #tpu.memory_space<vmem>>, vector<2000xf32>
    %add3A_281 = arith.addf %add3A_278, %get3A_280 : vector<2000xf32>
    %get3A_282 = arith.constant 176128 : index
    %get3A_283 = vector.load %arg0[%get3A_282] : memref<327680xf32, #tpu.memory_space<vmem>>, vector<2000xf32>
    %add3A_284 = arith.addf %add3A_281, %get3A_283 : vector<2000xf32>
    %get3A_285 = arith.constant 178176 : index
    %get3A_286 = vector.load %arg0[%get3A_285] : memref<327680xf32, #tpu.memory_space<vmem>>, vector<2000xf32>
    %add3A_287 = arith.addf %add3A_284, %get3A_286 : vector<2000xf32>
    %get3A_288 = arith.constant 180224 : index
    %get3A_289 = vector.load %arg0[%get3A_288] : memref<327680xf32, #tpu.memory_space<vmem>>, vector<2000xf32>
    %add3A_290 = arith.addf %add3A_287, %get3A_289 : vector<2000xf32>
    %get3A_291 = arith.constant 182272 : index
    %get3A_292 = vector.load %arg0[%get3A_291] : memref<327680xf32, #tpu.memory_space<vmem>>, vector<2000xf32>
    %add3A_293 = arith.addf %add3A_290, %get3A_292 : vector<2000xf32>
    %get3A_294 = arith.constant 184320 : index
    %get3A_295 = vector.load %arg0[%get3A_294] : memref<327680xf32, #tpu.memory_space<vmem>>, vector<2000xf32>
    %add3A_296 = arith.addf %add3A_293, %get3A_295 : vector<2000xf32>
    %get3A_297 = arith.constant 186368 : index
    %get3A_298 = vector.load %arg0[%get3A_297] : memref<327680xf32, #tpu.memory_space<vmem>>, vector<2000xf32>
    %add3A_299 = arith.addf %add3A_296, %get3A_298 : vector<2000xf32>
    %get3A_300 = arith.constant 188416 : index
    %get3A_301 = vector.load %arg0[%get3A_300] : memref<327680xf32, #tpu.memory_space<vmem>>, vector<2000xf32>
    %add3A_302 = arith.addf %add3A_299, %get3A_301 : vector<2000xf32>
    %get3A_303 = arith.constant 190464 : index
    %get3A_304 = vector.load %arg0[%get3A_303] : memref<327680xf32, #tpu.memory_space<vmem>>, vector<2000xf32>
    %add3A_305 = arith.addf %add3A_302, %get3A_304 : vector<2000xf32>
    %get3A_306 = arith.constant 192512 : index
    %get3A_307 = vector.load %arg0[%get3A_306] : memref<327680xf32, #tpu.memory_space<vmem>>, vector<2000xf32>
    %add3A_308 = arith.addf %add3A_305, %get3A_307 : vector<2000xf32>
    %get3A_309 = arith.constant 194560 : index
    %get3A_310 = vector.load %arg0[%get3A_309] : memref<327680xf32, #tpu.memory_space<vmem>>, vector<2000xf32>
    %add3A_311 = arith.addf %add3A_308, %get3A_310 : vector<2000xf32>
    %broadcast_in_dim3A_312 = vector.shape_cast %add3A_311 : vector<2000xf32> to vector<1x2000xf32>
    %convert_element_type3A_313 = arith.truncf %broadcast_in_dim3A_312 : vector<1x2000xf32> to vector<1x2000xbf16>
    %get3A_314 = arith.constant 4000 : index
    %get3A_315 = arith.constant 0 : index
    %get3A_316 = vector.load %arg1[%get3A_314, %get3A_315] : memref<10000x256xf8E4M3FN, #tpu.memory_space<vmem>>, vector<2000x256xf8E4M3FN>
    %convert_element_type3A_317 = arith.extf %get3A_316 : vector<2000x256xf8E4M3FN> to vector<2000x256xbf16>
    %dot_general3A_318 = arith.constant dense<0.000000e+00> : vector<1x256xf32>
    %dot_general3A_319 = tpu.matmul %convert_element_type3A_313, %convert_element_type3A_317, %dot_general3A_318 {dimension_numbers = #tpu.dot_dimension_numbers<[1], [0], [0], [1], [0, 0, 1, 1], [], []>, transpose_lhs_hint = false} : vector<1x2000xbf16>, vector<2000x256xbf16>, vector<1x256xf32> -> vector<1x256xf32>
    %add3A_320 = arith.addf %add3A_210, %dot_general3A_319 : vector<1x256xf32>
    %reduce_sum3A_321 = vector.shape_cast %add3A_311 : vector<2000xf32> to vector<1x2000xf32>
    %reduce_sum3A_322 = arith.constant dense<0.000000e+00> : vector<1xf32>
    %reduce_sum3A_323 = vector.multi_reduction <add>, %reduce_sum3A_321, %reduce_sum3A_322 [1] : vector<1x2000xf32> to vector<1xf32>
    %reduce_sum3A_324 = vector.shape_cast %reduce_sum3A_323 : vector<1xf32> to vector<1x1xf32>
    %reduce_sum3A_325 = vector.extract %reduce_sum3A_324[0, 0] : f32 from vector<1x1xf32>
    %add3A_326 = arith.addf %add3A_216, %reduce_sum3A_325 : f32
    %get3A_327 = arith.constant 196608 : index
    %get3A_328 = vector.load %arg0[%get3A_327] : memref<327680xf32, #tpu.memory_space<vmem>>, vector<2000xf32>
    %get3A_329 = arith.constant 198656 : index
    %get3A_330 = vector.load %arg0[%get3A_329] : memref<327680xf32, #tpu.memory_space<vmem>>, vector<2000xf32>
    %add3A_331 = arith.addf %get3A_328, %get3A_330 : vector<2000xf32>
    %get3A_332 = arith.constant 200704 : index
    %get3A_333 = vector.load %arg0[%get3A_332] : memref<327680xf32, #tpu.memory_space<vmem>>, vector<2000xf32>
    %add3A_334 = arith.addf %add3A_331, %get3A_333 : vector<2000xf32>
    %get3A_335 = arith.constant 202752 : index
    %get3A_336 = vector.load %arg0[%get3A_335] : memref<327680xf32, #tpu.memory_space<vmem>>, vector<2000xf32>
    %add3A_337 = arith.addf %add3A_334, %get3A_336 : vector<2000xf32>
    %get3A_338 = arith.constant 204800 : index
    %get3A_339 = vector.load %arg0[%get3A_338] : memref<327680xf32, #tpu.memory_space<vmem>>, vector<2000xf32>
    %add3A_340 = arith.addf %add3A_337, %get3A_339 : vector<2000xf32>
    %get3A_341 = arith.constant 206848 : index
    %get3A_342 = vector.load %arg0[%get3A_341] : memref<327680xf32, #tpu.memory_space<vmem>>, vector<2000xf32>
    %add3A_343 = arith.addf %add3A_340, %get3A_342 : vector<2000xf32>
    %get3A_344 = arith.constant 208896 : index
    %get3A_345 = vector.load %arg0[%get3A_344] : memref<327680xf32, #tpu.memory_space<vmem>>, vector<2000xf32>
    %add3A_346 = arith.addf %add3A_343, %get3A_345 : vector<2000xf32>
    %get3A_347 = arith.constant 210944 : index
    %get3A_348 = vector.load %arg0[%get3A_347] : memref<327680xf32, #tpu.memory_space<vmem>>, vector<2000xf32>
    %add3A_349 = arith.addf %add3A_346, %get3A_348 : vector<2000xf32>
    %get3A_350 = arith.constant 212992 : index
    %get3A_351 = vector.load %arg0[%get3A_350] : memref<327680xf32, #tpu.memory_space<vmem>>, vector<2000xf32>
    %add3A_352 = arith.addf %add3A_349, %get3A_351 : vector<2000xf32>
    %get3A_353 = arith.constant 215040 : index
    %get3A_354 = vector.load %arg0[%get3A_353] : memref<327680xf32, #tpu.memory_space<vmem>>, vector<2000xf32>
    %add3A_355 = arith.addf %add3A_352, %get3A_354 : vector<2000xf32>
    %get3A_356 = arith.constant 217088 : index
    %get3A_357 = vector.load %arg0[%get3A_356] : memref<327680xf32, #tpu.memory_space<vmem>>, vector<2000xf32>
    %add3A_358 = arith.addf %add3A_355, %get3A_357 : vector<2000xf32>
    %get3A_359 = arith.constant 219136 : index
    %get3A_360 = vector.load %arg0[%get3A_359] : memref<327680xf32, #tpu.memory_space<vmem>>, vector<2000xf32>
    %add3A_361 = arith.addf %add3A_358, %get3A_360 : vector<2000xf32>
    %get3A_362 = arith.constant 221184 : index
    %get3A_363 = vector.load %arg0[%get3A_362] : memref<327680xf32, #tpu.memory_space<vmem>>, vector<2000xf32>
    %add3A_364 = arith.addf %add3A_361, %get3A_363 : vector<2000xf32>
    %get3A_365 = arith.constant 223232 : index
    %get3A_366 = vector.load %arg0[%get3A_365] : memref<327680xf32, #tpu.memory_space<vmem>>, vector<2000xf32>
    %add3A_367 = arith.addf %add3A_364, %get3A_366 : vector<2000xf32>
    %get3A_368 = arith.constant 225280 : index
    %get3A_369 = vector.load %arg0[%get3A_368] : memref<327680xf32, #tpu.memory_space<vmem>>, vector<2000xf32>
    %add3A_370 = arith.addf %add3A_367, %get3A_369 : vector<2000xf32>
    %get3A_371 = arith.constant 227328 : index
    %get3A_372 = vector.load %arg0[%get3A_371] : memref<327680xf32, #tpu.memory_space<vmem>>, vector<2000xf32>
    %add3A_373 = arith.addf %add3A_370, %get3A_372 : vector<2000xf32>
    %get3A_374 = arith.constant 229376 : index
    %get3A_375 = vector.load %arg0[%get3A_374] : memref<327680xf32, #tpu.memory_space<vmem>>, vector<2000xf32>
    %add3A_376 = arith.addf %add3A_373, %get3A_375 : vector<2000xf32>
    %get3A_377 = arith.constant 231424 : index
    %get3A_378 = vector.load %arg0[%get3A_377] : memref<327680xf32, #tpu.memory_space<vmem>>, vector<2000xf32>
    %add3A_379 = arith.addf %add3A_376, %get3A_378 : vector<2000xf32>
    %get3A_380 = arith.constant 233472 : index
    %get3A_381 = vector.load %arg0[%get3A_380] : memref<327680xf32, #tpu.memory_space<vmem>>, vector<2000xf32>
    %add3A_382 = arith.addf %add3A_379, %get3A_381 : vector<2000xf32>
    %get3A_383 = arith.constant 235520 : index
    %get3A_384 = vector.load %arg0[%get3A_383] : memref<327680xf32, #tpu.memory_space<vmem>>, vector<2000xf32>
    %add3A_385 = arith.addf %add3A_382, %get3A_384 : vector<2000xf32>
    %get3A_386 = arith.constant 237568 : index
    %get3A_387 = vector.load %arg0[%get3A_386] : memref<327680xf32, #tpu.memory_space<vmem>>, vector<2000xf32>
    %add3A_388 = arith.addf %add3A_385, %get3A_387 : vector<2000xf32>
    %get3A_389 = arith.constant 239616 : index
    %get3A_390 = vector.load %arg0[%get3A_389] : memref<327680xf32, #tpu.memory_space<vmem>>, vector<2000xf32>
    %add3A_391 = arith.addf %add3A_388, %get3A_390 : vector<2000xf32>
    %get3A_392 = arith.constant 241664 : index
    %get3A_393 = vector.load %arg0[%get3A_392] : memref<327680xf32, #tpu.memory_space<vmem>>, vector<2000xf32>
    %add3A_394 = arith.addf %add3A_391, %get3A_393 : vector<2000xf32>
    %get3A_395 = arith.constant 243712 : index
    %get3A_396 = vector.load %arg0[%get3A_395] : memref<327680xf32, #tpu.memory_space<vmem>>, vector<2000xf32>
    %add3A_397 = arith.addf %add3A_394, %get3A_396 : vector<2000xf32>
    %get3A_398 = arith.constant 245760 : index
    %get3A_399 = vector.load %arg0[%get3A_398] : memref<327680xf32, #tpu.memory_space<vmem>>, vector<2000xf32>
    %add3A_400 = arith.addf %add3A_397, %get3A_399 : vector<2000xf32>
    %get3A_401 = arith.constant 247808 : index
    %get3A_402 = vector.load %arg0[%get3A_401] : memref<327680xf32, #tpu.memory_space<vmem>>, vector<2000xf32>
    %add3A_403 = arith.addf %add3A_400, %get3A_402 : vector<2000xf32>
    %get3A_404 = arith.constant 249856 : index
    %get3A_405 = vector.load %arg0[%get3A_404] : memref<327680xf32, #tpu.memory_space<vmem>>, vector<2000xf32>
    %add3A_406 = arith.addf %add3A_403, %get3A_405 : vector<2000xf32>
    %get3A_407 = arith.constant 251904 : index
    %get3A_408 = vector.load %arg0[%get3A_407] : memref<327680xf32, #tpu.memory_space<vmem>>, vector<2000xf32>
    %add3A_409 = arith.addf %add3A_406, %get3A_408 : vector<2000xf32>
    %get3A_410 = arith.constant 253952 : index
    %get3A_411 = vector.load %arg0[%get3A_410] : memref<327680xf32, #tpu.memory_space<vmem>>, vector<2000xf32>
    %add3A_412 = arith.addf %add3A_409, %get3A_411 : vector<2000xf32>
    %get3A_413 = arith.constant 256000 : index
    %get3A_414 = vector.load %arg0[%get3A_413] : memref<327680xf32, #tpu.memory_space<vmem>>, vector<2000xf32>
    %add3A_415 = arith.addf %add3A_412, %get3A_414 : vector<2000xf32>
    %get3A_416 = arith.constant 258048 : index
    %get3A_417 = vector.load %arg0[%get3A_416] : memref<327680xf32, #tpu.memory_space<vmem>>, vector<2000xf32>
    %add3A_418 = arith.addf %add3A_415, %get3A_417 : vector<2000xf32>
    %get3A_419 = arith.constant 260096 : index
    %get3A_420 = vector.load %arg0[%get3A_419] : memref<327680xf32, #tpu.memory_space<vmem>>, vector<2000xf32>
    %add3A_421 = arith.addf %add3A_418, %get3A_420 : vector<2000xf32>
    %broadcast_in_dim3A_422 = vector.shape_cast %add3A_421 : vector<2000xf32> to vector<1x2000xf32>
    %convert_element_type3A_423 = arith.truncf %broadcast_in_dim3A_422 : vector<1x2000xf32> to vector<1x2000xbf16>
    %get3A_424 = arith.constant 6000 : index
    %get3A_425 = arith.constant 0 : index
    %get3A_426 = vector.load %arg1[%get3A_424, %get3A_425] : memref<10000x256xf8E4M3FN, #tpu.memory_space<vmem>>, vector<2000x256xf8E4M3FN>
    %convert_element_type3A_427 = arith.extf %get3A_426 : vector<2000x256xf8E4M3FN> to vector<2000x256xbf16>
    %dot_general3A_428 = arith.constant dense<0.000000e+00> : vector<1x256xf32>
    %dot_general3A_429 = tpu.matmul %convert_element_type3A_423, %convert_element_type3A_427, %dot_general3A_428 {dimension_numbers = #tpu.dot_dimension_numbers<[1], [0], [0], [1], [0, 0, 1, 1], [], []>, transpose_lhs_hint = false} : vector<1x2000xbf16>, vector<2000x256xbf16>, vector<1x256xf32> -> vector<1x256xf32>
    %add3A_430 = arith.addf %add3A_320, %dot_general3A_429 : vector<1x256xf32>
    %reduce_sum3A_431 = vector.shape_cast %add3A_421 : vector<2000xf32> to vector<1x2000xf32>
    %reduce_sum3A_432 = arith.constant dense<0.000000e+00> : vector<1xf32>
    %reduce_sum3A_433 = vector.multi_reduction <add>, %reduce_sum3A_431, %reduce_sum3A_432 [1] : vector<1x2000xf32> to vector<1xf32>
    %reduce_sum3A_434 = vector.shape_cast %reduce_sum3A_433 : vector<1xf32> to vector<1x1xf32>
    %reduce_sum3A_435 = vector.extract %reduce_sum3A_434[0, 0] : f32 from vector<1x1xf32>
    %add3A_436 = arith.addf %add3A_326, %reduce_sum3A_435 : f32
    %get3A_437 = arith.constant 262144 : index
    %get3A_438 = vector.load %arg0[%get3A_437] : memref<327680xf32, #tpu.memory_space<vmem>>, vector<2000xf32>
    %get3A_439 = arith.constant 264192 : index
    %get3A_440 = vector.load %arg0[%get3A_439] : memref<327680xf32, #tpu.memory_space<vmem>>, vector<2000xf32>
    %add3A_441 = arith.addf %get3A_438, %get3A_440 : vector<2000xf32>
    %get3A_442 = arith.constant 266240 : index
    %get3A_443 = vector.load %arg0[%get3A_442] : memref<327680xf32, #tpu.memory_space<vmem>>, vector<2000xf32>
    %add3A_444 = arith.addf %add3A_441, %get3A_443 : vector<2000xf32>
    %get3A_445 = arith.constant 268288 : index
    %get3A_446 = vector.load %arg0[%get3A_445] : memref<327680xf32, #tpu.memory_space<vmem>>, vector<2000xf32>
    %add3A_447 = arith.addf %add3A_444, %get3A_446 : vector<2000xf32>
    %get3A_448 = arith.constant 270336 : index
    %get3A_449 = vector.load %arg0[%get3A_448] : memref<327680xf32, #tpu.memory_space<vmem>>, vector<2000xf32>
    %add3A_450 = arith.addf %add3A_447, %get3A_449 : vector<2000xf32>
    %get3A_451 = arith.constant 272384 : index
    %get3A_452 = vector.load %arg0[%get3A_451] : memref<327680xf32, #tpu.memory_space<vmem>>, vector<2000xf32>
    %add3A_453 = arith.addf %add3A_450, %get3A_452 : vector<2000xf32>
    %get3A_454 = arith.constant 274432 : index
    %get3A_455 = vector.load %arg0[%get3A_454] : memref<327680xf32, #tpu.memory_space<vmem>>, vector<2000xf32>
    %add3A_456 = arith.addf %add3A_453, %get3A_455 : vector<2000xf32>
    %get3A_457 = arith.constant 276480 : index
    %get3A_458 = vector.load %arg0[%get3A_457] : memref<327680xf32, #tpu.memory_space<vmem>>, vector<2000xf32>
    %add3A_459 = arith.addf %add3A_456, %get3A_458 : vector<2000xf32>
    %get3A_460 = arith.constant 278528 : index
    %get3A_461 = vector.load %arg0[%get3A_460] : memref<327680xf32, #tpu.memory_space<vmem>>, vector<2000xf32>
    %add3A_462 = arith.addf %add3A_459, %get3A_461 : vector<2000xf32>
    %get3A_463 = arith.constant 280576 : index
    %get3A_464 = vector.load %arg0[%get3A_463] : memref<327680xf32, #tpu.memory_space<vmem>>, vector<2000xf32>
    %add3A_465 = arith.addf %add3A_462, %get3A_464 : vector<2000xf32>
    %get3A_466 = arith.constant 282624 : index
    %get3A_467 = vector.load %arg0[%get3A_466] : memref<327680xf32, #tpu.memory_space<vmem>>, vector<2000xf32>
    %add3A_468 = arith.addf %add3A_465, %get3A_467 : vector<2000xf32>
    %get3A_469 = arith.constant 284672 : index
    %get3A_470 = vector.load %arg0[%get3A_469] : memref<327680xf32, #tpu.memory_space<vmem>>, vector<2000xf32>
    %add3A_471 = arith.addf %add3A_468, %get3A_470 : vector<2000xf32>
    %get3A_472 = arith.constant 286720 : index
    %get3A_473 = vector.load %arg0[%get3A_472] : memref<327680xf32, #tpu.memory_space<vmem>>, vector<2000xf32>
    %add3A_474 = arith.addf %add3A_471, %get3A_473 : vector<2000xf32>
    %get3A_475 = arith.constant 288768 : index
    %get3A_476 = vector.load %arg0[%get3A_475] : memref<327680xf32, #tpu.memory_space<vmem>>, vector<2000xf32>
    %add3A_477 = arith.addf %add3A_474, %get3A_476 : vector<2000xf32>
    %get3A_478 = arith.constant 290816 : index
    %get3A_479 = vector.load %arg0[%get3A_478] : memref<327680xf32, #tpu.memory_space<vmem>>, vector<2000xf32>
    %add3A_480 = arith.addf %add3A_477, %get3A_479 : vector<2000xf32>
    %get3A_481 = arith.constant 292864 : index
    %get3A_482 = vector.load %arg0[%get3A_481] : memref<327680xf32, #tpu.memory_space<vmem>>, vector<2000xf32>
    %add3A_483 = arith.addf %add3A_480, %get3A_482 : vector<2000xf32>
    %get3A_484 = arith.constant 294912 : index
    %get3A_485 = vector.load %arg0[%get3A_484] : memref<327680xf32, #tpu.memory_space<vmem>>, vector<2000xf32>
    %add3A_486 = arith.addf %add3A_483, %get3A_485 : vector<2000xf32>
    %get3A_487 = arith.constant 296960 : index
    %get3A_488 = vector.load %arg0[%get3A_487] : memref<327680xf32, #tpu.memory_space<vmem>>, vector<2000xf32>
    %add3A_489 = arith.addf %add3A_486, %get3A_488 : vector<2000xf32>
    %get3A_490 = arith.constant 299008 : index
    %get3A_491 = vector.load %arg0[%get3A_490] : memref<327680xf32, #tpu.memory_space<vmem>>, vector<2000xf32>
    %add3A_492 = arith.addf %add3A_489, %get3A_491 : vector<2000xf32>
    %get3A_493 = arith.constant 301056 : index
    %get3A_494 = vector.load %arg0[%get3A_493] : memref<327680xf32, #tpu.memory_space<vmem>>, vector<2000xf32>
    %add3A_495 = arith.addf %add3A_492, %get3A_494 : vector<2000xf32>
    %get3A_496 = arith.constant 303104 : index
    %get3A_497 = vector.load %arg0[%get3A_496] : memref<327680xf32, #tpu.memory_space<vmem>>, vector<2000xf32>
    %add3A_498 = arith.addf %add3A_495, %get3A_497 : vector<2000xf32>
    %get3A_499 = arith.constant 305152 : index
    %get3A_500 = vector.load %arg0[%get3A_499] : memref<327680xf32, #tpu.memory_space<vmem>>, vector<2000xf32>
    %add3A_501 = arith.addf %add3A_498, %get3A_500 : vector<2000xf32>
    %get3A_502 = arith.constant 307200 : index
    %get3A_503 = vector.load %arg0[%get3A_502] : memref<327680xf32, #tpu.memory_space<vmem>>, vector<2000xf32>
    %add3A_504 = arith.addf %add3A_501, %get3A_503 : vector<2000xf32>
    %get3A_505 = arith.constant 309248 : index
    %get3A_506 = vector.load %arg0[%get3A_505] : memref<327680xf32, #tpu.memory_space<vmem>>, vector<2000xf32>
    %add3A_507 = arith.addf %add3A_504, %get3A_506 : vector<2000xf32>
    %get3A_508 = arith.constant 311296 : index
    %get3A_509 = vector.load %arg0[%get3A_508] : memref<327680xf32, #tpu.memory_space<vmem>>, vector<2000xf32>
    %add3A_510 = arith.addf %add3A_507, %get3A_509 : vector<2000xf32>
    %get3A_511 = arith.constant 313344 : index
    %get3A_512 = vector.load %arg0[%get3A_511] : memref<327680xf32, #tpu.memory_space<vmem>>, vector<2000xf32>
    %add3A_513 = arith.addf %add3A_510, %get3A_512 : vector<2000xf32>
    %get3A_514 = arith.constant 315392 : index
    %get3A_515 = vector.load %arg0[%get3A_514] : memref<327680xf32, #tpu.memory_space<vmem>>, vector<2000xf32>
    %add3A_516 = arith.addf %add3A_513, %get3A_515 : vector<2000xf32>
    %get3A_517 = arith.constant 317440 : index
    %get3A_518 = vector.load %arg0[%get3A_517] : memref<327680xf32, #tpu.memory_space<vmem>>, vector<2000xf32>
    %add3A_519 = arith.addf %add3A_516, %get3A_518 : vector<2000xf32>
    %get3A_520 = arith.constant 319488 : index
    %get3A_521 = vector.load %arg0[%get3A_520] : memref<327680xf32, #tpu.memory_space<vmem>>, vector<2000xf32>
    %add3A_522 = arith.addf %add3A_519, %get3A_521 : vector<2000xf32>
    %get3A_523 = arith.constant 321536 : index
    %get3A_524 = vector.load %arg0[%get3A_523] : memref<327680xf32, #tpu.memory_space<vmem>>, vector<2000xf32>
    %add3A_525 = arith.addf %add3A_522, %get3A_524 : vector<2000xf32>
    %get3A_526 = arith.constant 323584 : index
    %get3A_527 = vector.load %arg0[%get3A_526] : memref<327680xf32, #tpu.memory_space<vmem>>, vector<2000xf32>
    %add3A_528 = arith.addf %add3A_525, %get3A_527 : vector<2000xf32>
    %get3A_529 = arith.constant 325632 : index
    %get3A_530 = vector.load %arg0[%get3A_529] : memref<327680xf32, #tpu.memory_space<vmem>>, vector<2000xf32>
    %add3A_531 = arith.addf %add3A_528, %get3A_530 : vector<2000xf32>
    %broadcast_in_dim3A_532 = vector.shape_cast %add3A_531 : vector<2000xf32> to vector<1x2000xf32>
    %convert_element_type3A_533 = arith.truncf %broadcast_in_dim3A_532 : vector<1x2000xf32> to vector<1x2000xbf16>
    %get3A_534 = arith.constant 8000 : index
    %get3A_535 = arith.constant 0 : index
    %get3A_536 = vector.load %arg1[%get3A_534, %get3A_535] : memref<10000x256xf8E4M3FN, #tpu.memory_space<vmem>>, vector<2000x256xf8E4M3FN>
    %convert_element_type3A_537 = arith.extf %get3A_536 : vector<2000x256xf8E4M3FN> to vector<2000x256xbf16>
    %dot_general3A_538 = arith.constant dense<0.000000e+00> : vector<1x256xf32>
    %dot_general3A_539 = tpu.matmul %convert_element_type3A_533, %convert_element_type3A_537, %dot_general3A_538 {dimension_numbers = #tpu.dot_dimension_numbers<[1], [0], [0], [1], [0, 0, 1, 1], [], []>, transpose_lhs_hint = false} : vector<1x2000xbf16>, vector<2000x256xbf16>, vector<1x256xf32> -> vector<1x256xf32>
    %add3A_540 = arith.addf %add3A_430, %dot_general3A_539 : vector<1x256xf32>
    %reduce_sum3A_541 = vector.shape_cast %add3A_531 : vector<2000xf32> to vector<1x2000xf32>
    %reduce_sum3A_542 = arith.constant dense<0.000000e+00> : vector<1xf32>
    %reduce_sum3A_543 = vector.multi_reduction <add>, %reduce_sum3A_541, %reduce_sum3A_542 [1] : vector<1x2000xf32> to vector<1xf32>
    %reduce_sum3A_544 = vector.shape_cast %reduce_sum3A_543 : vector<1xf32> to vector<1x1xf32>
    %reduce_sum3A_545 = vector.extract %reduce_sum3A_544[0, 0] : f32 from vector<1x1xf32>
    %add3A_546 = arith.addf %add3A_436, %reduce_sum3A_545 : f32
    %div3A = vector.broadcast %add3A_546 : f32 to vector<1x256xf32>
    %div3A_547 = arith.divf %add3A_540, %div3A : vector<1x256xf32>
    %swap3A = arith.constant 0 : index
    %swap3A_548 = arith.constant 0 : index
    %swap3A_549 = vector.load %arg2[%swap3A, %swap3A_548] : memref<1x256xf32, #tpu.memory_space<vmem>>, vector<1x256xf32>
    tpu.vector_store %arg2[%swap3A, %swap3A_548], %div3A_547 {strides = array<i32>} : memref<1x256xf32, #tpu.memory_space<vmem>>, vector<1x256xf32>,
    return
  }
}

</mosaic_0001>

<sc_bundles>
// kernel: kernel.5.cloned.1.call-start
scs
__scs_entry_jumppad:
0x0: {  	(pc) =	sbr.rel $0x88, $3  }
0x1: {  	(tag) =	ssettag $0x0;
	lr =	simm.s32 $0x1  }
0x2: {  	[smem:$0x3F9C] =	sst lr;
	_ =	strace $0xD0000000  }
0x3: {  	_ = 	snop  }
0x4: {  	_ = 	snop  }
0x5: {  	_ = 	snop  }
0x6: {  	_ = 	snop  }
0x7: {  	_ = 	snop  }
__scs_overlays_trampoline_lowered:
0x8: {  	[smem:$0x3FAB] =	sst s0  }
0x9: {  	[smem:$0x3FAC] =	sst s1  }
0xa: {  	[smem:$0x3FAD] =	sst s2  }
0xb: {  	[smem:$0x3FAE] =	sst s3  }
0xc: {  	[smem:$0x3FAF] =	sst s4  }
0xd: {  	[smem:$0x3FB0] =	sst s5  }
0xe: {  	[smem:$0x3FB1] =	sst s6  }
0xf: {  	[smem:$0x3FB2] =	sst s7  }
0x10: {  	[smem:$0x3FB3] =	sst s8  }
0x11: {  	[smem:$0x3FB4] =	sst s9;
	s0 =	simm.s32 @!p0 $0x0  }
0x12: {  	s1 =	sld [smem:$0x3F9A];
	s0 =	simm.s32 @p0 $0x1  }
0x13: {  	[smem:$0x3FB5] =	sst s0;
	s0 =	simm.s32 @!p1 $0x0  }
0x14: {  	s2 =	sld [smem:$0x3F99];
	s0 =	simm.s32 @p1 $0x1  }
0x15: {  	[smem:$0x3FB6] =	sst s0;
	s0 =	simm.s32 @!p2 $0x0  }
0x16: {  	s3 =	sld [smem:$0x3FDB];
	s0 =	simm.s32 @p2 $0x1  }
0x17: {  	s4 =	simm.s32 $0x1BF5;
	[smem:$0x3FB8] =	sst s0  }
0x18: {  	s0 =	sld [smem:$0x3F9B];
	_ =	swait.ge [sflag:s4], $0x0  }
0x19: {  	s7 =	sld [smem:$0x3F9C]  }
0x1a: {  	s8 =	sadd.s32 $0xFFFFE003, lr  }
0x1b: {  	s9 =	sadd.s32 $0xFFFFFEF7, lr;
	s5 =	simm.s32 $0xFFFFFFFF;
	p2 =	slt.u32 s8, $0xFFFFF086  }
0x1c: {  	p1 =	slt.u32 s9, $0xF7A;
	s5 =	simm.s32 @!p2 $0x0  }
0x1d: {  	s5 =	simm.s32 @p1 $0x1;
	p0 =	seq.s32 s7, s2  }
0x1e: {  	s7 =	smul.u32 @!p0 $0xF7A, s2;
	p2 =	seq.s32 @!p0 s5, $0x0  }
0x1f: {  	s9 =	smul.u32 $0xF7A, s1;
	s8 =	simm.s32 @!p0 $0x1BF5;
	p2 =	por !p2, p0  }
0x20: {  	[sflag:s8] =	ssyncset.s32 @!p0 $0xFFFFF086;
	s6 =	sadd.s32 @!p0 s3, s7;
	s7 =	simm.s32 @!p0 $0x108  }
0x21: {  	s3 =	sadd.s32 s3, s9;
	s6 =	sadd.s32 @!p0 $0x88, s6;
	s7 =	simm.s32 @p2 $0x1082  }
0x22: {  	[simem:s7], [sflag:s8] =	dma.local @!p0 [hbm:s6], $0xF7A  }
0x23: {  	s9 =	sor.u32 $0xD0000000, s2;
	s6 =	simm.s32 $0x108;
	_ =	swait.ge @!p0 [sflag:s8], $0x0  }
0x24: {  	s3 =	sadd.s32 $0x88, s3;
	s6 =	simm.s32 @!p1 $0x1082;
	[sflag:s4] =	ssyncset.s32 $0xFFFFF086  }
0x25: {  	[simem:s6], [sflag:s4] =	dma.local [hbm:s3], $0xF7A  }
0x26: {  	[smem:$0x3F9C] =	sst s1;
	(tag) =	ssettag s2;
	_ =	strace s9  }
0x27: {  	s1 =	sld [smem:$0x3FAC]  }
0x28: {  	s2 =	sld [smem:$0x3FAD]  }
0x29: {  	s4 =	sld [smem:$0x3FAF]  }
0x2a: {  	p0 =	seq.s32 s5, $0x0;
	s5 =	sld [smem:$0x3FB0]  }
0x2b: {  	s6 =	sld [smem:$0x3FB1]  }
0x2c: {  	s7 =	sld [smem:$0x3FB2]  }
0x2d: {  	s3 =	simm.s32 $0x108;
	s8 =	sld [smem:$0x3FB3]  }
0x2e: {  	s3 =	simm.s32 @!p0 $0x1082;
	s9 =	sld [smem:$0x3FB4]  }
0x2f: {  	lr =	sadd.s32 s0, s3;
	s0 =	sld [smem:$0x3FAB]  }
0x30: {  	s3 =	sld [smem:$0x3FAE]  }
0x31: {  	[smem:$0x3FB7] =	sst s10  }
0x32: {  	s10 =	sld [smem:$0x3FB5];
	_ =	sdelay $0x3  }
0x33: {  	p0 =	seq.s32 s10, $0x1;
	s10 =	sld [smem:$0x3FB7];
	_ =	sdelay $0x3  }
0x34: {  	[smem:$0x3FB7] =	sst s10  }
0x35: {  	s10 =	sld [smem:$0x3FB6];
	_ =	sdelay $0x3  }
0x36: {  	p1 =	seq.s32 s10, $0x1;
	s10 =	sld [smem:$0x3FB7];
	_ =	sdelay $0x3  }
0x37: {  	[smem:$0x3FB7] =	sst s10  }
0x38: {  	s10 =	sld [smem:$0x3FB8]  }
0x39: {  	_ = 	snop;
	(pc) =	sbr.ind lr, $3  }
0x3a: {  	_ = 	snop  }
0x3b: {  	_ = 	snop  }
0x3c: {  	p2 =	seq.s32 s10, $0x1;
	s10 =	sld [smem:$0x3FB7]  }
0x3d: {  	_ =	shalt  }
0x3e: {  	_ =	shalt  }
0x3f: {  	_ =	shalt  }
0x40: {  	_ =	shalt  }
0x41: {  	_ =	shalt  }
0x42: {  	_ =	shalt  }
0x43: {  	_ =	shalt  }
0x44: {  	_ =	shalt  }
0x45: {  	_ =	shalt  }
0x46: {  	_ =	shalt  }
0x47: {  	_ =	shalt  }
0x48: {  	_ =	shalt  }
0x49: {  	_ =	shalt  }
0x4a: {  	_ =	shalt  }
0x4b: {  	_ =	shalt  }
0x4c: {  	_ =	shalt  }
0x4d: {  	_ =	shalt  }
0x4e: {  	_ =	shalt  }
0x4f: {  	_ =	shalt  }
0x50: {  	_ =	shalt  }
0x51: {  	_ =	shalt  }
0x52: {  	_ =	shalt  }
0x53: {  	_ =	shalt  }
0x54: {  	_ =	shalt  }
0x55: {  	_ =	shalt  }
0x56: {  	_ =	shalt  }
0x57: {  	_ =	shalt  }
0x58: {  	_ =	shalt  }
0x59: {  	_ =	shalt  }
0x5a: {  	_ =	shalt  }
0x5b: {  	_ =	shalt  }
0x5c: {  	_ =	shalt  }
0x5d: {  	_ =	shalt  }
0x5e: {  	_ =	shalt  }
0x5f: {  	_ =	shalt  }
0x60: {  	_ =	shalt  }
0x61: {  	_ =	shalt  }
0x62: {  	_ =	shalt  }
0x63: {  	_ =	shalt  }
0x64: {  	_ =	shalt  }
0x65: {  	_ =	shalt  }
0x66: {  	_ =	shalt  }
0x67: {  	_ =	shalt  }
0x68: {  	_ =	shalt  }
0x69: {  	_ =	shalt  }
0x6a: {  	_ =	shalt  }
0x6b: {  	_ =	shalt  }
0x6c: {  	_ =	shalt  }
0x6d: {  	_ =	shalt  }
0x6e: {  	_ =	shalt  }
0x6f: {  	_ =	shalt  }
0x70: {  	_ =	shalt  }
0x71: {  	_ =	shalt  }
0x72: {  	_ =	shalt  }
0x73: {  	_ =	shalt  }
0x74: {  	_ =	shalt  }
0x75: {  	_ =	shalt  }
0x76: {  	_ =	shalt  }
0x77: {  	_ =	shalt  }
0x78: {  	_ =	shalt  }
0x79: {  	_ =	shalt  }
0x7a: {  	_ =	shalt  }
0x7b: {  	_ =	shalt  }
0x7c: {  	_ =	shalt  }
0x7d: {  	_ =	shalt  }
0x7e: {  	_ =	shalt  }
0x7f: {  	_ =	shalt  }
0x80: {  	_ =	shalt  }
0x81: {  	_ =	shalt  }
0x82: {  	_ =	shalt  }
0x83: {  	_ =	shalt  }
0x84: {  	_ =	shalt  }
0x85: {  	_ =	shalt  }
0x86: {  	_ =	shalt  }
0x87: {  	_ =	shalt  }
.Lfunc_end0:
.L_simem_size_0:
called_computation_lowered:
.L_overlay_start_0:
0x88: {  	s2 =	sld [smem:$0x3FD9]  }
0x89: {  	s3 =	sld [smem:$0x3FFE];
	_ =	sdelay $0x1  }
0x8a: {  	s1 =	srdreg.scid  }
0x8b: {  	s0 =	sand.u32 $0x1, s1  }
0x8c: {  	s17 =	sshll.u32 s0, $0xA;
	s2 =	sadd.s32 s3, s2  }
0x8d: {  	s2 =	sadd.s32 s2, s17  }
0x8e: {  	[smem:$0x3FC3] =	sst s2  }
0x8f: {  	_ = 	snop  }
0x90: {  	s2 =	sld [smem:$0x3FC9]  }
0x91: {  	s18 =	sld [smem:$0x3FC8];
	(tm) =	ssettm $0x1  }
0x92: {  	s4 =	sld [smem:$0x3FFB];
	_ =	sdelay $0x3  }
0x93: {  	_ =	strace s4  }
0x94: {  	s4 =	sld [smem:$0x3FFC];
	_ =	sdelay $0x3  }
0x95: {  	_ =	strace s4  }
0x96: {  	s4 =	sld [smem:$0x3FFD];
	_ =	sdelay $0x3  }
0x97: {  	_ =	strace s4  }
0x98: {  	_ =	strace $0x8FFFFFFF  }
0x99: {  	s19 =	sld [smem:$0x3FDB];
	_ =	sdelay $0x1  }
0x9a: {  	s5 =	simm.s32 $_scs_section_size  }
0x9b: {  	s6 =	simm.s32 $_size__tile_overlayer_lowered;
	s7 =	simm.s32 $_tile_overlayer_lowered  }
0x9c: {  	s22 =	simm.s32 $0x1BFF;
	s21 =	sshll.u32 s7, $0x1;
	s4 =	sadd.s32 s5, s19  }
0x9d: {  	s8 =	simm.s32 $0x0;
	s20 =	sshll.u32 s6, $0x1;
	s6 =	sadd.s32 s21, s4  }
0x9e: {  	[timem:s8], [sflag:s22] =	dma.local [hbm:s6], s20  }
0x9f: {  	_ =	swait.ge [sflag:s22], s20  }
0xa0: {  	s5 =	ssub.s32 $0x0, s20;
	[sflag:s22] =	ssyncset.done $0x0  }
0xa1: {  	[sflag:s22] =	ssyncadd.s32 s5;
	_ =	sdelay $0x1  }
0xa2: {  	s23 =	simm.s32 $0x1B8B  }
0xa3: {  	_ =	swait.ge [sflag:s23], $0x1  }
0xa4: {  	[sflag:s23] =	ssyncset.done $0x0  }
0xa5: {  	s25 =	simm.s32 $0x1B8E;
	s24 =	sld [smem:$0x3FFE];
	[sflag:s23] =	ssyncadd.s32 $0xFFFFFFFF  }
0xa6: {  	s26 =	simm.s32 $execute0_lowered;
	[smem:$0x3FD2] =	sst s25  }
0xa7: {  	s6 =	sshll.u32 s26, $0x1;
	_ =	strace $0x80000046;
	[dreg:$0x1] =	wrdreg $0xFFFFFFFF  }
0xa8: {  	s28 =	simm.s32 $_size_execute0_lowered;
	s4 =	sadd.s32 s4, s6;
	[dreg:$0x0] =	wrdreg $0x0  }
0xa9: {  	s6 =	sshll.u32 s28, $0x1;
	[dreg:$0x2] =	wrdreg s4  }
0xaa: {  	[dreg:$0x3] =	wrdreg s6  }
0xab: {  	[dreg:$0x4] =	wrdreg $0xC0  }
0xac: {  	_ =	task [dreg:s8], $0x5FFFF  }
0xad: {  	[dreg:$0x1] =	wrdreg $0xFFFFFFFF  }
0xae: {  	[dreg:$0x0] =	wrdreg $0x60  }
0xaf: {  	[dreg:$0x2] =	wrdreg s2  }
0xb0: {  	[dreg:$0x3] =	wrdreg s18  }
0xb1: {  	[dreg:$0x4] =	wrdreg s24  }
0xb2: {  	[dreg:$0x5] =	wrdreg $0x9  }
0xb3: {  	_ =	task.clear_ibuf [dreg:s8], $0x6FFFF;
	_ =	strace $0x90000046  }
0xb4: {  	s29 =	simm.s32 $0x9;
	_ =	strace $0x80000048  }
0xb5: {  	_ =	swait.ge [sflag:s29], $0x1  }
0xb6: {  	[sflag:s29] =	ssyncadd.s32 $0xFFFFFFFF  }
0xb7: {  	_ =	strace $0x90000048  }
0xb8: {  	_ =	sfence  }
0xb9: {  	s30 =	sld [smem:$0x0];
	_ =	sdelay $0x2  }
0xba: {  	s31 =	sshll.u32 s1, $0xD;
	s1 =	sshrl.u32 s1, $0x2  }
0xbb: {  	s3 =	sand.u32 $0x4000, s31;
	s1 =	sadd.s32 s1, s30  }
0xbc: {  	s0 =	sor.u32 s3, s0;
	s1 =	sshll.u32 s1, $0x11  }
0xbd: {  	s0 =	sor.u32 s1, s0  }
0xbe: {  	s0 =	sadd.s32 $0x8F2B, s0  }
0xbf: {  	[sflag:s0] =	ssyncadd.remote.s32 $0x1  }
0xc0: {  	_ =	sfence.sel $0xFFFF  }
0xc1: {  	[dreg:$0x0] =	wrdreg $0xFFFFFFFF;
	(pc) =	sbr.abs _section_cstart, $3  }
0xc2: {  	[dreg:$0x1] =	wrdreg $0xFFFFFFFF  }
0xc3: {  	_ =	task.clear_ibuf [dreg:s8], $0x2FFFF;
	_ =	strace $0x9FFFFFFF  }
0xc4: {  	(tm) =	ssettm $0x7FFFFFFF  }
0xc5: {  	_ =	shalt  }
tec
execute0_lowered:
.L_overlay_start_1:
0x0: {  	(tag) =	ssettag $0x1  }
0x1: {  	s3 =	rddreg [dreg:$0x0]  }
0x2: {  	s4 =	rddreg [dreg:$0x1]  }
0x3: {  	s5 =	rddreg [dreg:$0x2]  }
0x4: {  	s0 =	rddreg [dreg:$0x3]  }
0x5: {  	s6 =	srdreg.scid;
	s1 =	stileid.u32  }
0x6: {  	s2 =	simm.s32 $0x0;
	s12 =	simm.s32 $0x1;
	s13 =	simm.s32 $0x2  }
0x7: {  	s14 =	simm.s32 $0x2800;
	s15 =	simm.s32 $0x3;
	s16 =	simm.s32 $0x2FD0  }
0x8: {  	s17 =	simm.s32 $0x37A0;
	s18 =	simm.s32 $0x3F70;
	s19 =	simm.s32 $0x4740  }
0x9: {  	s20 =	simm.s32 $0x0;
	s6 =	sand.u32 $0x1, s6;
	s7 =	sshll.u32 s1, $0x1  }
0xa: {  	[smem:$0x7FF] =	sst s2;
	s7 =	sor.u32 s6, s7;
	s6 =	ssub.s32 $0x2, s6  }
0xb: {  	s8 =	sshll.u32 s7, $0x8;
	s9 =	sshrl.u32 s6, $0x1;
	s7 =	smul.u32 $0x271, s7  }
0xc: {  	_ =	strace $0x80000047;
	s10 =	sadd.s32 s8, s5;
	s11 =	ssub.s32 s6, s9  }
0xd: {  	s3 =	sadd.s32 s3, s7;
	s4 =	sadd.s32 s4, s7;
	s5 =	sadd.s32 $0xC00, s10  }
0xe: {  	s6 =	sadd.s32 $0x2C00, s10;
	s7 =	sadd.s32 $0x4C00, s10;
	s8 =	sadd.s32 $0x6C00, s10  }
0xf: {  	v0 =	vimm.f32 $0.0e+00;
	s9 =	sadd.s32 $0x8C00, s10;
	s10 =	smax.u32 s11, $0x1;
	s11 =	simm.s32 $0x1400  }
.LBB2_1:
0x10: {  	[tilespmem:s2], [sflag:$0x1] =	stream.linear.gather [hbm4b:s3+s2], $0x1388, $0x38;
	[tilespmem:$0x4F80] =	vst v63  }
0x11: {  	s21 =	simm.s32 $0x28C0  }
0x12: {  	[tilespmem:s11], [sflag:$0x2] =	stream.linear.gather [hbm4b:s4+s2], $0x1388, $0x38;
	[tilespmem:$0x4F80] =	vst v63  }
0x13: {  	[tilespmem:s21+$0xFFFFFF40] =	vst v0  }
0x14: {  	[tilespmem:s21+$0xFFFFFFB0] =	vst v0  }
0x15: {  	[tilespmem:s21+$0xFFFFFFA0] =	vst v0  }
0x16: {  	[tilespmem:s21+$0xFFFFFF90] =	vst v0  }
0x17: {  	[tilespmem:s21+$0xFFFFFF80] =	vst v0  }
0x18: {  	[tilespmem:s21+$0xFFFFFF70] =	vst v0  }
0x19: {  	[tilespmem:s21+$0xFFFFFF60] =	vst v0  }
0x1a: {  	s22 =	sand.u32 $0x3FF0, s2;
	[tilespmem:s21+$0xFFFFFF50] =	vst v0  }
0x1b: {  	[tilespmem:s22+$0x2880] =	vst v0  }
0x1c: {  	[tilespmem:s21+$0x30] =	vst v0  }
0x1d: {  	[tilespmem:s21+$0x20] =	vst v0  }
0x1e: {  	s23 =	simm.s32 $0x190;
	s24 =	simm.s32 $0x28C0;
	[tilespmem:s21+$0x10] =	vst v0  }
.LBB2_2:
0x1f: {  	p0 =	sne.s32 s23, $0x2580  }
0x20: {  	[tilespmem:s21+$0x0] =	vst v0;
	s24 =	sadd.s32 $0x190, s24;
	s25 =	smov.u32 s23;
	s23 =	sadd.s32 $0x190, s23  }
0x21: {  	[tilespmem:s21+$0xFFFFFFF0] =	vst v0  }
0x22: {  	[tilespmem:s21+$0xFFFFFFD0] =	vst v0  }
0x23: {  	[tilespmem:s21+$0xFFFFFFE0] =	vst v0  }
0x24: {  	[tilespmem:s22+$0x2900] =	vst v0  }
0x25: {  	[tilespmem:s21+$0x50] =	vst v0  }
0x26: {  	[tilespmem:s21+$0xB0] =	vst v0  }
0x27: {  	[tilespmem:s21+$0xA0] =	vst v0  }
0x28: {  	[tilespmem:s21+$0x90] =	vst v0  }
0x29: {  	[tilespmem:s21+$0x80] =	vst v0  }
0x2a: {  	[tilespmem:s21+$0x60] =	vst v0  }
0x2b: {  	[tilespmem:s21+$0x70] =	vst v0;
	s21 =	smov.u32 s24  }
0x2c: {  	[tilespmem:s22+$0x2980] =	vst v0  }
0x2d: {  	[tilespmem:s24+$0xFFFFFF40] =	vst v0  }
0x2e: {  	[tilespmem:s24+$0xFFFFFFB0] =	vst v0  }
0x2f: {  	[tilespmem:s24+$0xFFFFFFA0] =	vst v0  }
0x30: {  	[tilespmem:s24+$0xFFFFFF90] =	vst v0  }
0x31: {  	[tilespmem:s24+$0xFFFFFF80] =	vst v0  }
0x32: {  	[tilespmem:s24+$0xFFFFFF70] =	vst v0  }
0x33: {  	[tilespmem:s24+$0xFFFFFF60] =	vst v0  }
.Ltmp0:
0x34: {  	s22 =	sand.u32 $0x3FF0, s25;
	[tilespmem:s24+$0xFFFFFF50] =	vst v0;
	(pc) =	sbr.rel @p0 .LBB2_2-.Ltmp0, $4  }
0x35: {  	[tilespmem:s22+$0x2880] =	vst v0  }
0x36: {  	[tilespmem:s24+$0x30] =	vst v0  }
0x37: {  	[tilespmem:s24+$0x20] =	vst v0  }
0x38: {  	[tilespmem:s24+$0x10] =	vst v0  }
0x39: {  	[tilespmem:s21+$0x0] =	vst v0  }
0x3a: {  	[tilespmem:s21+$0xFFFFFFF0] =	vst v0  }
0x3b: {  	[tilespmem:s21+$0xFFFFFFD0] =	vst v0  }
0x3c: {  	[tilespmem:s21+$0xFFFFFFE0] =	vst v0  }
0x3d: {  	[tilespmem:s22+$0x2900] =	vst v0  }
0x3e: {  	[tilespmem:s21+$0x50] =	vst v0  }
0x3f: {  	[tilespmem:s21+$0xB0] =	vst v0  }
0x40: {  	[tilespmem:s21+$0xA0] =	vst v0  }
0x41: {  	[tilespmem:s21+$0x90] =	vst v0  }
0x42: {  	[tilespmem:s21+$0x80] =	vst v0  }
0x43: {  	[tilespmem:s21+$0x60] =	vst v0  }
0x44: {  	[tilespmem:s21+$0x70] =	vst v0  }
0x45: {  	[tilespmem:s22+$0x2980] =	vst v0  }
0x46: {  	_ =	swait.ge [sflag:s12], $0x1388  }
0x47: {  	[sflag:s12] =	ssyncset.done $0x0  }
0x48: {  	[sflag:s12] =	ssyncadd.s32 $0xFFFFEC78  }
0x49: {  	_ =	swait.ge [sflag:s13], $0x1388  }
0x4a: {  	s23 =	simm.s32 $0x1460;
	[sflag:s13] =	ssyncset.done $0x0  }
0x4b: {  	s21 =	simm.s32 $0x0;
	s22 =	simm.s32 $0x60;
	[sflag:s13] =	ssyncadd.s32 $0xFFFFEC78  }
.LBB2_4:
0x4c: {  	v1 =	vld [tilespmem:s22+$0xFFFFFFA0];
	_ =	sdelay $0x2  }
0x4d: {  	v2 =	vld [tilespmem:s23+$0xFFFFFFA0];
	_ =	sdelay $0x4  }
0x4e: {  	[tilespmem:v1+s14+$0x0] =	vst.idx.add.f32.msk $0xffff, v2  }
0x4f: {  	v1 =	vld [tilespmem:s22+$0xFFFFFFB0];
	_ =	sdelay $0x2  }
0x50: {  	v2 =	vld [tilespmem:s23+$0xFFFFFFB0];
	_ =	sdelay $0x4  }
0x51: {  	[tilespmem:v1+s14+$0x0] =	vst.idx.add.f32.msk $0xffff, v2  }
0x52: {  	v1 =	vld [tilespmem:s22+$0xFFFFFFC0];
	_ =	sdelay $0x2  }
0x53: {  	v2 =	vld [tilespmem:s23+$0xFFFFFFC0];
	_ =	sdelay $0x4  }
0x54: {  	[tilespmem:v1+s14+$0x0] =	vst.idx.add.f32.msk $0xffff, v2  }
0x55: {  	v1 =	vld [tilespmem:s22+$0xFFFFFFD0];
	_ =	sdelay $0x2  }
0x56: {  	v2 =	vld [tilespmem:s23+$0xFFFFFFD0];
	_ =	sdelay $0x4  }
0x57: {  	[tilespmem:v1+s14+$0x0] =	vst.idx.add.f32.msk $0xffff, v2  }
0x58: {  	v1 =	vld [tilespmem:s22+$0xFFFFFFE0];
	_ =	sdelay $0x2  }
0x59: {  	v2 =	vld [tilespmem:s23+$0xFFFFFFE0];
	_ =	sdelay $0x4  }
0x5a: {  	[tilespmem:v1+s14+$0x0] =	vst.idx.add.f32.msk $0xffff, v2  }
0x5b: {  	v1 =	vld [tilespmem:s22+$0xFFFFFFF0];
	_ =	sdelay $0x2  }
0x5c: {  	v2 =	vld [tilespmem:s23+$0xFFFFFFF0];
	_ =	sdelay $0x4  }
0x5d: {  	[tilespmem:v1+s14+$0x0] =	vst.idx.add.f32.msk $0xffff, v2  }
0x5e: {  	v1 =	vld [tilespmem:s22+$0x0];
	_ =	sdelay $0x2  }
0x5f: {  	v2 =	vld [tilespmem:s23+$0x0];
	_ =	sdelay $0x4  }
0x60: {  	[tilespmem:v1+s14+$0x0] =	vst.idx.add.f32.msk $0xffff, v2  }
0x61: {  	v1 =	vld [tilespmem:s22+$0x10];
	_ =	sdelay $0x2  }
0x62: {  	v2 =	vld [tilespmem:s23+$0x10];
	_ =	sdelay $0x4  }
0x63: {  	s24 =	sand.u32 $0x1FF0, s21;
	[tilespmem:v1+s14+$0x0] =	vst.idx.add.f32.msk $0xffff, v2  }
0x64: {  	v1 =	vld [tilespmem:s24+$0x80];
	_ =	sdelay $0x2  }
0x65: {  	v2 =	vld [tilespmem:s24+$0x1480];
	_ =	sdelay $0x4  }
0x66: {  	[tilespmem:v1+s14+$0x0] =	vst.idx.add.f32.msk $0xffff, v2  }
0x67: {  	v1 =	vld [tilespmem:s22+$0x30];
	_ =	sdelay $0x2  }
0x68: {  	v2 =	vld [tilespmem:s23+$0x30];
	_ =	sdelay $0x4  }
0x69: {  	[tilespmem:v1+s14+$0x0] =	vst.idx.add.f32.msk $0xffff, v2  }
0x6a: {  	v1 =	vld [tilespmem:s22+$0x40];
	_ =	sdelay $0x2  }
0x6b: {  	v2 =	vld [tilespmem:s23+$0x40];
	_ =	sdelay $0x4  }
0x6c: {  	[tilespmem:v1+s14+$0x0] =	vst.idx.add.f32.msk $0xffff, v2  }
0x6d: {  	v1 =	vld [tilespmem:s22+$0x50];
	_ =	sdelay $0x2  }
0x6e: {  	v2 =	vld [tilespmem:s23+$0x50];
	_ =	sdelay $0x4  }
0x6f: {  	[tilespmem:v1+s14+$0x0] =	vst.idx.add.f32.msk $0xffff, v2  }
0x70: {  	v1 =	vld [tilespmem:s22+$0x60];
	_ =	sdelay $0x2  }
0x71: {  	p0 =	sne.s32 s21, $0x12B0;
	v2 =	vld [tilespmem:s23+$0x60]  }
.Ltmp1:
0x72: {  	_ = 	snop;
	(pc) =	sbr.rel @p0 .LBB2_4-.Ltmp1, $2  }
0x73: {  	_ =	sdelay $0x2  }
0x74: {  	s21 =	sadd.s32 $0xD0, s21;
	s22 =	sadd.s32 $0xD0, s22;
	s23 =	sadd.s32 $0xD0, s23;
	[tilespmem:v1+s14+$0x0] =	vst.idx.add.f32.msk $0xffff, v2  }
0x75: {  	v1 =	vld [tilespmem:$0x1380];
	_ =	sdelay $0x2  }
0x76: {  	v2 =	vld [tilespmem:$0x2780];
	_ =	sdelay $0x4  }
0x77: {  	[tilespmem:v1+s14+$0x0] =	vst.idx.add.f32.msk $0xff, v2  }
0x78: {  	[hbm4b:s5+s2] =	stream.linear.scatter [tilespmem:s14], [sflag:$0x3], $0x7D0, $0x38;
	[tilespmem:$0x4F80] =	vst v63  }
0x79: {  	_ =	swait.ge [sflag:s15], $0x7D0  }
0x7a: {  	[sflag:s15] =	ssyncset.done $0x0  }
0x7b: {  	[sflag:s15] =	ssyncadd.s32 $0xFFFFF830  }
0x7c: {  	[hbm4b:s6+s2] =	stream.linear.scatter [tilespmem:s16], [sflag:$0x3], $0x7D0, $0x38;
	[tilespmem:$0x4F80] =	vst v63  }
0x7d: {  	_ =	swait.ge [sflag:s15], $0x7D0  }
0x7e: {  	[sflag:s15] =	ssyncset.done $0x0  }
0x7f: {  	[sflag:s15] =	ssyncadd.s32 $0xFFFFF830  }
0x80: {  	[hbm4b:s7+s2] =	stream.linear.scatter [tilespmem:s17], [sflag:$0x3], $0x7D0, $0x38;
	[tilespmem:$0x4F80] =	vst v63  }
0x81: {  	_ =	swait.ge [sflag:s15], $0x7D0  }
0x82: {  	[sflag:s15] =	ssyncset.done $0x0  }
0x83: {  	[sflag:s15] =	ssyncadd.s32 $0xFFFFF830  }
0x84: {  	[hbm4b:s8+s2] =	stream.linear.scatter [tilespmem:s18], [sflag:$0x3], $0x7D0, $0x38;
	[tilespmem:$0x4F80] =	vst v63  }
0x85: {  	s20 =	sadd.s32 $0x1, s20;
	_ =	swait.ge [sflag:s15], $0x7D0  }
0x86: {  	p0 =	sne.s32 s20, s10;
	[sflag:s15] =	ssyncset.done $0x0  }
.Ltmp2:
0x87: {  	[sflag:s15] =	ssyncadd.s32 $0xFFFFF830;
	(pc) =	sbr.rel @p0 .LBB2_1-.Ltmp2, $4  }
0x88: {  	[hbm4b:s9+s2] =	stream.linear.scatter [tilespmem:s19], [sflag:$0x3], $0x7D0, $0x38;
	[tilespmem:$0x4F80] =	vst v63  }
0x89: {  	_ =	swait.ge [sflag:s15], $0x7D0  }
0x8a: {  	[sflag:s15] =	ssyncset.done $0x0  }
0x8b: {  	[sflag:s15] =	ssyncadd.s32 $0xFFFFF830  }
0x8c: {  	_ =	sfence.sel $0x180000  }
0x8d: {  	[bflag:$0x0] =	sbarrier.arrive $0xFFFF  }
0x8e: {  	p0 =	sne.s32 s1, $0x0;
	_ =	strace $0x90000047  }
0x8f: {  	s0 =	sadd.s32 @!p0 $0x100000, s0;
	[bflag:$0x2] =	sbarrier.arrive $0xFFFF  }
0x90: {  	[sflag:s0] =	ssyncadd.tile.s32 @!p0 $0x1;
	_ =	shalt  }
.Lfunc_end2:
_tile_overlayer_lowered:
.L_overlay_start_2:
0x91: {  	(tag) =	ssettag $0x2  }
0x92: {  	s0 =	rddreg [dreg:$0x0];
	s2 =	stileid.u32  }
0x93: {  	s1 =	rddreg [dreg:$0x1];
	p0 =	sne.s32 s2, $0x0  }
0x94: {  	s3 =	rddreg [dreg:$0x2];
	[bflag:$0x3] =	sbarrier.arrive $0xFFFF;
	s2 =	simm.s32 @!p0 $0x1C03  }
0x95: {  	[timem:s3], [sflag:s2] =	dma.local @!p0 [hbm:s0], s1  }
0x96: {  	s0 =	simm.s32 @!p0 $0x3  }
0x97: {  	_ =	swait.ge @!p0 [sflag:s0], s1  }
0x98: {  	s1 =	ssub.s32 @!p0 $0x0, s1;
	[sflag:s0] =	ssyncset.done @!p0 $0x0  }
0x99: {  	[sflag:s0] =	ssyncadd.s32 @!p0 s1  }
0x9a: {  	[bflag:$0x3] =	sbarrier.arrive $0xFFFF  }
0x9b: {  	_ =	shalt  }

</sc_bundles>
